<compile_context>
chip_gen: v7x
topology: tpu7x:2x2x1
jax: 0.10.2.dev20260603
libtpu: 0.0.44.dev20260713+nightly
codegen_flags: <defaults>
</compile_context>

<pallas_src>
import functools

import jax
import jax.numpy as jnp
from jax import lax
from jax.experimental import pallas as pl
from jax.experimental.pallas import tpu as pltpu
from jax.experimental.pallas import tpu_sc as plsc

SHIFT = 0.6931471805599453

NUM_SEG = 10000
ZBINS = 128
L = 16
NTILES = 32
CHUNK = 128


def _softplus(x):
    return jnp.maximum(x, 0.0) + jnp.log(1.0 + jnp.exp(-jnp.abs(x)))


def _table_body(emb_ref, w1_ref, b1_ref, thi_ref, tlo_ref):
    h = jnp.maximum(emb_ref[...], 0.0)
    x = jnp.dot(h, w1_ref[...], preferred_element_type=jnp.float32) + b1_ref[...]
    t = _softplus(x) - SHIFT
    t_hi = t.astype(jnp.bfloat16).astype(jnp.float32)
    thi_ref[...] = t_hi
    tlo_ref[...] = t - t_hi


def _species_table(emb_pad, W1, b1):
    zb, hid = emb_pad.shape
    f = W1.shape[1]
    return pl.pallas_call(
        _table_body,
        out_shape=(jax.ShapeDtypeStruct((zb, f), jnp.float32),
                   jax.ShapeDtypeStruct((zb, f), jnp.float32)),
    )(emb_pad, W1, b1.reshape(1, f))


SEGPT = 313
SEGP = NTILES * SEGPT
HWORDS = SEGPT * ZBINS
CA = 4096


NSAMP = 1024
WWIN = 336


def _hist_body(batch_hbm, z_hbm, out_hbm, hist, bbuf, zbuf, idx2, samp,
               winv, sem, *, n):
    c = lax.axis_index("c")
    s = lax.axis_index("s")
    wid = s * 2 + c
    seg_lo = wid * SEGPT
    seg_hi = seg_lo + SEGPT
    iota = lax.iota(jnp.int32, L)

    def zero_fill(i, _):
        hist[pl.ds(i * L, L)] = jnp.zeros((L,), jnp.float32)
        return _

    lax.fori_loop(0, HWORDS // L, zero_fill, 0)

    def idx_fill(j, _):
        k16 = j * L + iota
        idx2[j // 8, pl.ds((j % 8) * L, L)] = (k16 * n) // NSAMP
        return _

    lax.fori_loop(0, NSAMP // L, idx_fill, 0)
    descs = [
        pltpu.async_copy(batch_hbm.at[idx2.at[r]],
                         samp.at[pl.ds(r * 128, 128)], sem)
        for r in range(NSAMP // 128)
    ]
    for d in descs:
        d.wait()

    def samp_count(j, acc):
        v = samp[pl.ds(j * L, L)]
        return (acc[0] + jnp.sum(jnp.where(v < seg_lo, 1, 0)),
                acc[1] + jnp.sum(jnp.where(v < seg_hi, 1, 0)))

    cs_lo, cs_hi = lax.fori_loop(0, NSAMP // L, samp_count,
                                 (jnp.int32(0), jnp.int32(0)))

    def refine(cs, target):
        p_lo = jnp.where(cs == 0, 0, ((cs - 1) * n) // NSAMP + 1)
        p_hi = jnp.where(cs >= NSAMP, n, (cs * n) // NSAMP)
        base = pl.multiple_of(
            jnp.minimum((p_lo // 8) * 8, n - WWIN), 8)
        pltpu.sync_copy(batch_hbm.at[pl.ds(base, WWIN)], winv)

        def wcount(j, acc):
            v = winv[pl.ds(j * L, L)]
            pos = base + j * L + iota
            m = (pos >= p_lo) & (pos < p_hi) & (v < target)
            return acc + jnp.sum(jnp.where(m, 1, 0))

        return p_lo + lax.fori_loop(0, WWIN // L, wcount, jnp.int32(0))

    lo = refine(cs_lo, seg_lo)
    hi = refine(cs_hi, seg_hi)

    start = pl.multiple_of((lo // 8) * 8, 8)
    count = hi - start
    nloops = (count + CA - 1) // CA
    ones = jnp.full((L,), 1.0, jnp.float32)

    def chunk(ci, cov):
        base = start + ci * CA
        base = pl.multiple_of(jnp.minimum(base, n - CA), 8)
        pltpu.sync_copy(batch_hbm.at[pl.ds(base, CA)], bbuf)
        pltpu.sync_copy(z_hbm.at[pl.ds(base, CA)], zbuf)

        def vec(j, _):
            b16 = bbuf[pl.ds(j * L, L)]
            z16 = zbuf[pl.ds(j * L, L)]
            pos = base + j * L + iota
            m = (pos >= cov) & (pos < hi)
            key = (b16 - seg_lo) * ZBINS + z16
            plsc.addupdate_scatter(hist, [key], ones, mask=m)
            return _

        lax.fori_loop(0, CA // L, vec, 0)
        return jnp.maximum(cov, base + CA)

    lax.fori_loop(0, nloops, chunk, lo)

    pltpu.sync_copy(hist, out_hbm.at[pl.ds(wid * HWORDS, HWORDS)])


def _histogram(batch, z):
    n = batch.shape[0]
    assert n % 8 == 0 and n > CA and n > WWIN
    assert (NSAMP - 1) * n < 2**31 and n // NSAMP + 8 <= WWIN
    mesh = plsc.VectorSubcoreMesh(core_axis_name="c", subcore_axis_name="s")
    body = functools.partial(_hist_body, n=n)
    return pl.kernel(
        body,
        out_type=jax.ShapeDtypeStruct((SEGP * ZBINS,), jnp.float32),
        mesh=mesh,
        compiler_params=pltpu.CompilerParams(needs_layout_passes=False),
        scratch_types=[
            pltpu.VMEM((HWORDS,), jnp.float32),
            pltpu.VMEM((CA,), jnp.int32),
            pltpu.VMEM((CA,), jnp.int32),
            pltpu.VMEM((NSAMP // 128, 128), jnp.int32),
            pltpu.VMEM((NSAMP,), jnp.int32),
            pltpu.VMEM((WWIN,), jnp.int32),
            pltpu.SemaphoreType.DMA,
        ],
    )(batch, z)


def _readout_body(cnt_ref, thi_ref, tlo_ref, w2_ref, b2_ref, w3_ref, b3_ref,
                  out_ref):
    cnt = cnt_ref[...]
    seg = (jnp.dot(cnt, thi_ref[...], preferred_element_type=jnp.float32)
           + jnp.dot(cnt, tlo_ref[...], preferred_element_type=jnp.float32))
    x = jnp.dot(seg, w2_ref[...], preferred_element_type=jnp.float32) + b2_ref[...]
    h = _softplus(x) - SHIFT
    out_ref[...] = jnp.dot(h, w3_ref[...], preferred_element_type=jnp.float32) + b3_ref[...]


def _readout(cnt, T_hi, T_lo, W2, b2, W3, b3):
    rows = 1000
    grid = NUM_SEG // rows
    f, hid = W2.shape
    out = W3.shape[1]
    return pl.pallas_call(
        _readout_body,
        grid=(grid,),
        in_specs=[
            pl.BlockSpec((rows, ZBINS), lambda i: (i, 0)),
            pl.BlockSpec((ZBINS, f), lambda i: (0, 0)),
            pl.BlockSpec((ZBINS, f), lambda i: (0, 0)),
            pl.BlockSpec((f, hid), lambda i: (0, 0)),
            pl.BlockSpec((1, hid), lambda i: (0, 0)),
            pl.BlockSpec((hid, out), lambda i: (0, 0)),
            pl.BlockSpec((1, out), lambda i: (0, 0)),
        ],
        out_specs=pl.BlockSpec((rows, out), lambda i: (i, 0)),
        out_shape=jax.ShapeDtypeStruct((NUM_SEG, out), jnp.float32),
    )(cnt, T_hi, T_lo, W2, b2.reshape(1, hid), W3, b3.reshape(1, out))


def kernel(z, batch, pos, emb_table, W1, b1, W2, b2, W3, b3):
    del pos
    num_emb, hid = emb_table.shape
    assert num_emb <= ZBINS
    emb_pad = jnp.zeros((ZBINS, hid), jnp.float32).at[:num_emb].set(emb_table)
    T_hi, T_lo = _species_table(emb_pad, W1, b1)
    cnt = _histogram(batch.astype(jnp.int32), z.astype(jnp.int32))
    cnt = cnt.reshape(SEGP, ZBINS)
    return _readout(cnt, T_hi, T_lo, W2, b2, W3, b3)

# --- scband reference (transcript-rebuilt; emitter-appended) ---
"""Pipeline reference for scband-base-crystal-model-45449343926352 (READ-ONLY COPY).

The authoritative reference and input builder live on the scoring server;
editing this copy changes nothing except your own understanding.
"""

import jax, jax.numpy as jnp
import numpy as np

N = 320000
NUM_SEG = 10000
NUM_EMB = 120
HID = 128
OUT = 1
SHIFT = float(np.log(2.0))


def setup_inputs(seed: int = 0) -> dict:
    key = jax.random.key(seed)
    ks = jax.random.split(key, 12)
    z = jax.random.randint(ks[0], (N,), 0, NUM_EMB)
    batch = jnp.sort(jax.random.randint(ks[1], (N,), 0, NUM_SEG))
    pos = jax.random.normal(ks[2], (N, 3), dtype=jnp.float32)
    emb_table = jax.random.normal(ks[3], (NUM_EMB, HID), dtype=jnp.float32) * 0.02
    W1 = jax.random.normal(ks[4], (HID, HID * 5), dtype=jnp.float32) * 0.02
    b1 = jnp.zeros((HID * 5,), dtype=jnp.float32)
    W2 = jax.random.normal(ks[5], (HID * 5, HID), dtype=jnp.float32) * 0.02
    b2 = jnp.zeros((HID,), dtype=jnp.float32)
    W3 = jax.random.normal(ks[6], (HID, OUT), dtype=jnp.float32) * 0.02
    b3 = jnp.zeros((OUT,), dtype=jnp.float32)
    return {"z": z, "batch": batch, "pos": pos, "emb_table": emb_table,
            "W1": W1, "b1": b1, "W2": W2, "b2": b2, "W3": W3, "b3": b3}


def reference(z, batch, pos, emb_table, W1, b1, W2, b2, W3, b3):
    # simple_z=True path: h = relu(Embedding(z))
    h = jnp.take(emb_table, z, axis=0)
    h = jax.nn.relu(h)
    # ReadOutLayer: lin1 -> ShiftedSoftplus -> segment_csr(add over batch) -> lin2 -> ShiftedSoftplus -> lin3
    h = h @ W1 + b1
    h = jax.nn.softplus(h) - SHIFT
    h = jax.ops.segment_sum(h, batch, num_segments=NUM_SEG)
    h = h @ W2 + b2
    h = jax.nn.softplus(h) - SHIFT
    h = h @ W3 + b3
    return h

if __name__ == "__main__":
    import jax
    _d = setup_inputs()
    print(jax.jit(kernel)(*tuple(_d.values())))

</pallas_src>

<mosaic_0001>
#map = affine_map<(d0, d1) -> (0)>
module attributes {stable_mosaic.version = 14 : i64} {
  func.func @_hist_body(%arg0: i32, %arg1: i32, %arg2: memref<320000xi32, #tpu.memory_space<hbm>>, %arg3: memref<320000xi32, #tpu.memory_space<hbm>>, %arg4: memref<1282048xf32, #tpu.memory_space<hbm>>, %arg5: memref<40064xf32, #tpu.memory_space<vmem>>, %arg6: memref<4096xi32, #tpu.memory_space<vmem>>, %arg7: memref<4096xi32, #tpu.memory_space<vmem>>, %arg8: memref<8x128xi32, #tpu.memory_space<vmem>>, %arg9: memref<1024xi32, #tpu.memory_space<vmem>>, %arg10: memref<336xi32, #tpu.memory_space<vmem>>, %arg11: memref<!tpu.dma_semaphore, #tpu.memory_space<semaphore_mem>>) attributes {dimension_semantics = [#tpu.dimension_semantics<core_parallel>, #tpu.dimension_semantics<subcore_parallel>], iteration_bounds = array<i64: 2, 16>, scalar_prefetch = 0 : i64, scratch_operands = 7 : i64, tpu.core_type = #tpu.core_type<sc_vector_subcore>, window_params = [{transform_indices = #map}, {transform_indices = #map}, {transform_indices = #map}]} {
    %mul3A = arith.constant 2 : i32
    %mul3A_0 = arith.muli %arg1, %mul3A : i32
    %add3A = arith.addi %mul3A_0, %arg0 : i32
    %mul3A_1 = arith.constant 313 : i32
    %mul3A_2 = arith.muli %add3A, %mul3A_1 : i32
    %add3A_3 = arith.constant 313 : i32
    %add3A_4 = arith.addi %mul3A_2, %add3A_3 : i32
    %iota3A = tpu.iota {dimensions = array<i32: 0>} : vector<16xi32>
    %scan3A = arith.constant 0 : i32
    %scan3A_5 = arith.constant 0 : i32
    %scan3A_6 = arith.constant 2504 : i32
    %scan3A_7 = arith.addi %scan3A_5, %scan3A_6 : i32
    %scan3A_8 = arith.constant 1 : i32
    scf.for %scan3A_409 = %scan3A_5 to %scan3A_7 step %scan3A_8  : i32 {
      %broadcast_in_dim3A_410 = arith.constant 0.000000e+00 : f32
      %broadcast_in_dim3A_411 = vector.broadcast %broadcast_in_dim3A_410 : f32 to vector<16xf32>
      %mul3A_412 = arith.constant 16 : i32
      %mul3A_413 = arith.muli %scan3A_409, %mul3A_412 : i32
      %swap3A = arith.index_cast %mul3A_413 : i32 to index
      %swap3A_414 = tpu.vector_load %arg5[%swap3A] {strides = array<i32>} : memref<40064xf32, #tpu.memory_space<vmem>>, vector<16xf32>,
      tpu.vector_store %arg5[%swap3A], %broadcast_in_dim3A_411 {strides = array<i32>} : memref<40064xf32, #tpu.memory_space<vmem>>, vector<16xf32>,
    }
    %scan3A_9 = arith.constant 2504 : i32
    %scan3A_10 = arith.constant 0 : i32
    %scan3A_11 = arith.constant 0 : i32
    %scan3A_12 = arith.constant 64 : i32
    %scan3A_13 = arith.addi %scan3A_11, %scan3A_12 : i32
    %scan3A_14 = arith.constant 1 : i32
    scf.for %scan3A_409 = %scan3A_11 to %scan3A_13 step %scan3A_14  : i32 {
      %mul3A_410 = arith.constant 16 : i32
      %mul3A_411 = arith.muli %scan3A_409, %mul3A_410 : i32
      %add3A_412 = vector.broadcast %mul3A_411 : i32 to vector<16xi32>
      %add3A_413 = arith.addi %add3A_412, %iota3A : vector<16xi32>
      %mul3A_414 = arith.constant 320000 : i32
      %mul3A_415 = vector.broadcast %mul3A_414 : i32 to vector<16xi32>
      %mul3A_416 = arith.muli %add3A_413, %mul3A_415 : vector<16xi32>
      %jit3A_417 = arith.constant 1024 : i32
      %div3A_418 = vector.broadcast %jit3A_417 : i32 to vector<16xi32>
      %div3A_419 = arith.divsi %mul3A_416, %div3A_418 : vector<16xi32>
      %sign3A_420 = arith.constant 0 : i32
      %sign3A_421 = vector.broadcast %sign3A_420 : i32 to vector<16xi32>
      %sign3A_422 = arith.cmpi sgt, %mul3A_416, %sign3A_421 : vector<16xi32>
      %sign3A_423 = arith.extui %sign3A_422 : vector<16xi1> to vector<16xi32>
      %sign3A_424 = arith.constant 0 : i32
      %sign3A_425 = vector.broadcast %sign3A_424 : i32 to vector<16xi32>
      %sign3A_426 = arith.cmpi slt, %mul3A_416, %sign3A_425 : vector<16xi32>
      %sign3A_427 = arith.extui %sign3A_426 : vector<16xi1> to vector<16xi32>
      %sign3A_428 = arith.subi %sign3A_423, %sign3A_427 : vector<16xi32>
      %sign3A_429 = arith.constant 0 : i32
      %sign3A_430 = arith.cmpi sgt, %jit3A_417, %sign3A_429 : i32
      %sign3A_431 = arith.extui %sign3A_430 : i1 to i32
      %sign3A_432 = arith.constant 0 : i32
      %sign3A_433 = arith.cmpi slt, %jit3A_417, %sign3A_432 : i32
      %sign3A_434 = arith.extui %sign3A_433 : i1 to i32
      %sign3A_435 = arith.subi %sign3A_431, %sign3A_434 : i32
      %ne3A_436 = vector.broadcast %sign3A_435 : i32 to vector<16xi32>
      %ne3A_437 = arith.cmpi ne, %sign3A_428, %ne3A_436 : vector<16xi32>
      %rem3A_438 = vector.broadcast %jit3A_417 : i32 to vector<16xi32>
      %rem3A_439 = arith.remsi %mul3A_416, %rem3A_438 : vector<16xi32>
      %ne3A_440 = arith.constant 0 : i32
      %ne3A_441 = vector.broadcast %ne3A_440 : i32 to vector<16xi32>
      %ne3A_442 = arith.cmpi ne, %rem3A_439, %ne3A_441 : vector<16xi32>
      %and3A_443 = arith.andi %ne3A_437, %ne3A_442 : vector<16xi1>
      %sub3A_444 = arith.constant 1 : i32
      %sub3A_445 = vector.broadcast %sub3A_444 : i32 to vector<16xi32>
      %sub3A_446 = arith.subi %div3A_419, %sub3A_445 : vector<16xi32>
      %select_n3A_447 = arith.select %and3A_443, %sub3A_446, %div3A_419 : vector<16xi1>, vector<16xi32>
      %jit3A_448 = arith.constant 8 : i32
      %div3A_449 = arith.divsi %scan3A_409, %jit3A_448 : i32
      %sign3A_450 = arith.constant 0 : i32
      %sign3A_451 = arith.cmpi sgt, %scan3A_409, %sign3A_450 : i32
      %sign3A_452 = arith.extui %sign3A_451 : i1 to i32
      %sign3A_453 = arith.constant 0 : i32
      %sign3A_454 = arith.cmpi slt, %scan3A_409, %sign3A_453 : i32
      %sign3A_455 = arith.extui %sign3A_454 : i1 to i32
      %sign3A_456 = arith.subi %sign3A_452, %sign3A_455 : i32
      %sign3A_457 = arith.constant 0 : i32
      %sign3A_458 = arith.cmpi sgt, %jit3A_448, %sign3A_457 : i32
      %sign3A_459 = arith.extui %sign3A_458 : i1 to i32
      %sign3A_460 = arith.constant 0 : i32
      %sign3A_461 = arith.cmpi slt, %jit3A_448, %sign3A_460 : i32
      %sign3A_462 = arith.extui %sign3A_461 : i1 to i32
      %sign3A_463 = arith.subi %sign3A_459, %sign3A_462 : i32
      %ne3A_464 = arith.cmpi ne, %sign3A_456, %sign3A_463 : i32
      %rem3A_465 = arith.remsi %scan3A_409, %jit3A_448 : i32
      %ne3A_466 = arith.constant 0 : i32
      %ne3A_467 = arith.cmpi ne, %rem3A_465, %ne3A_466 : i32
      %and3A_468 = arith.andi %ne3A_464, %ne3A_467 : i1
      %sub3A_469 = arith.constant 1 : i32
      %sub3A_470 = arith.subi %div3A_449, %sub3A_469 : i32
      %select_n3A_471 = arith.select %and3A_468, %sub3A_470, %div3A_449 : i32
      %jit3A_472 = arith.constant 8 : i32
      %eq3A_473 = arith.constant 0 : i32
      %eq3A_474 = arith.cmpi eq, %jit3A_472, %eq3A_473 : i32
      %jit3A_475 = arith.constant 1 : i32
      %select_n3A_476 = arith.select %eq3A_474, %jit3A_475, %jit3A_472 : i32
      %rem3A_477 = arith.remsi %scan3A_409, %select_n3A_476 : i32
      %ne3A_478 = arith.constant 0 : i32
      %ne3A_479 = arith.cmpi ne, %rem3A_477, %ne3A_478 : i32
      %lt3A = arith.constant 0 : i32
      %lt3A_480 = arith.cmpi slt, %rem3A_477, %lt3A : i32
      %lt3A_481 = arith.constant 0 : i32
      %lt3A_482 = arith.cmpi slt, %select_n3A_476, %lt3A_481 : i32
      %ne3A_483 = arith.xori %lt3A_480, %lt3A_482 : i1
      %and3A_484 = arith.andi %ne3A_483, %ne3A_479 : i1
      %add3A_485 = arith.addi %rem3A_477, %select_n3A_476 : i32
      %select_n3A_486 = arith.select %and3A_484, %add3A_485, %rem3A_477 : i32
      %mul3A_487 = arith.constant 16 : i32
      %mul3A_488 = arith.muli %select_n3A_486, %mul3A_487 : i32
      %swap3A = arith.index_cast %select_n3A_471 : i32 to index
      %swap3A_489 = arith.index_cast %mul3A_488 : i32 to index
      %swap3A_490 = tpu.vector_load %arg8[%swap3A, %swap3A_489] {strides = array<i32>} : memref<8x128xi32, #tpu.memory_space<vmem>>, vector<16xi32>,
      tpu.vector_store %arg8[%swap3A, %swap3A_489], %select_n3A_447 {strides = array<i32>} : memref<8x128xi32, #tpu.memory_space<vmem>>, vector<16xi32>,
    }
    %scan3A_15 = arith.constant 64 : i32
    %dma_start3A = arith.constant 0 : i32
    %dma_start3A_16 = arith.constant 0 : i32
    %dma_start3A_17 = tpu.memref_slice %arg9[%dma_start3A_16] : memref<1024xi32, #tpu.memory_space<vmem>> -> memref<128xi32, #tpu.memory_space<vmem>>
    %dma_start3A_18 = arith.constant 0 : i32
    %dma_start3A_19 = tpu.memref_slice %arg8[%dma_start3A, %dma_start3A_18] : memref<8x128xi32, #tpu.memory_space<vmem>> -> memref<1x128xi32, #tpu.memory_space<vmem>>
    %dma_start3A_20 = tpu.memref_squeeze %dma_start3A_19 : memref<1x128xi32, #tpu.memory_space<vmem>> -> memref<128xi32, #tpu.memory_space<vmem>>
    %dma_start3A_21 = arith.constant 0 : i32
    %dma_start3A_22 = tpu.memref_slice %arg2[%dma_start3A_21] : memref<320000xi32, #tpu.memory_space<hbm>> -> memref<320000xi32, #tpu.memory_space<hbm>>
    tpu.enqueue_indirect_dma source(%dma_start3A_22 : memref<320000xi32, #tpu.memory_space<hbm>>) target(%dma_start3A_17 : memref<128xi32, #tpu.memory_space<vmem>>) offsets(%dma_start3A_20 : memref<128xi32, #tpu.memory_space<vmem>>) semaphore(%arg11 : memref<!tpu.dma_semaphore, #tpu.memory_space<semaphore_mem>>)
    %dma_start3A_23 = arith.constant 1 : i32
    %dma_start3A_24 = arith.constant 128 : i32
    %dma_start3A_25 = tpu.memref_slice %arg9[%dma_start3A_24] : memref<1024xi32, #tpu.memory_space<vmem>> -> memref<128xi32, #tpu.memory_space<vmem>>
    %dma_start3A_26 = arith.constant 0 : i32
    %dma_start3A_27 = tpu.memref_slice %arg8[%dma_start3A_23, %dma_start3A_26] : memref<8x128xi32, #tpu.memory_space<vmem>> -> memref<1x128xi32, #tpu.memory_space<vmem>>
    %dma_start3A_28 = tpu.memref_squeeze %dma_start3A_27 : memref<1x128xi32, #tpu.memory_space<vmem>> -> memref<128xi32, #tpu.memory_space<vmem>>
    %dma_start3A_29 = arith.constant 0 : i32
    %dma_start3A_30 = tpu.memref_slice %arg2[%dma_start3A_29] : memref<320000xi32, #tpu.memory_space<hbm>> -> memref<320000xi32, #tpu.memory_space<hbm>>
    tpu.enqueue_indirect_dma source(%dma_start3A_30 : memref<320000xi32, #tpu.memory_space<hbm>>) target(%dma_start3A_25 : memref<128xi32, #tpu.memory_space<vmem>>) offsets(%dma_start3A_28 : memref<128xi32, #tpu.memory_space<vmem>>) semaphore(%arg11 : memref<!tpu.dma_semaphore, #tpu.memory_space<semaphore_mem>>)
    %dma_start3A_31 = arith.constant 2 : i32
    %dma_start3A_32 = arith.constant 256 : i32
    %dma_start3A_33 = tpu.memref_slice %arg9[%dma_start3A_32] : memref<1024xi32, #tpu.memory_space<vmem>> -> memref<128xi32, #tpu.memory_space<vmem>>
    %dma_start3A_34 = arith.constant 0 : i32
    %dma_start3A_35 = tpu.memref_slice %arg8[%dma_start3A_31, %dma_start3A_34] : memref<8x128xi32, #tpu.memory_space<vmem>> -> memref<1x128xi32, #tpu.memory_space<vmem>>
    %dma_start3A_36 = tpu.memref_squeeze %dma_start3A_35 : memref<1x128xi32, #tpu.memory_space<vmem>> -> memref<128xi32, #tpu.memory_space<vmem>>
    %dma_start3A_37 = arith.constant 0 : i32
    %dma_start3A_38 = tpu.memref_slice %arg2[%dma_start3A_37] : memref<320000xi32, #tpu.memory_space<hbm>> -> memref<320000xi32, #tpu.memory_space<hbm>>
    tpu.enqueue_indirect_dma source(%dma_start3A_38 : memref<320000xi32, #tpu.memory_space<hbm>>) target(%dma_start3A_33 : memref<128xi32, #tpu.memory_space<vmem>>) offsets(%dma_start3A_36 : memref<128xi32, #tpu.memory_space<vmem>>) semaphore(%arg11 : memref<!tpu.dma_semaphore, #tpu.memory_space<semaphore_mem>>)
    %dma_start3A_39 = arith.constant 3 : i32
    %dma_start3A_40 = arith.constant 384 : i32
    %dma_start3A_41 = tpu.memref_slice %arg9[%dma_start3A_40] : memref<1024xi32, #tpu.memory_space<vmem>> -> memref<128xi32, #tpu.memory_space<vmem>>
    %dma_start3A_42 = arith.constant 0 : i32
    %dma_start3A_43 = tpu.memref_slice %arg8[%dma_start3A_39, %dma_start3A_42] : memref<8x128xi32, #tpu.memory_space<vmem>> -> memref<1x128xi32, #tpu.memory_space<vmem>>
    %dma_start3A_44 = tpu.memref_squeeze %dma_start3A_43 : memref<1x128xi32, #tpu.memory_space<vmem>> -> memref<128xi32, #tpu.memory_space<vmem>>
    %dma_start3A_45 = arith.constant 0 : i32
    %dma_start3A_46 = tpu.memref_slice %arg2[%dma_start3A_45] : memref<320000xi32, #tpu.memory_space<hbm>> -> memref<320000xi32, #tpu.memory_space<hbm>>
    tpu.enqueue_indirect_dma source(%dma_start3A_46 : memref<320000xi32, #tpu.memory_space<hbm>>) target(%dma_start3A_41 : memref<128xi32, #tpu.memory_space<vmem>>) offsets(%dma_start3A_44 : memref<128xi32, #tpu.memory_space<vmem>>) semaphore(%arg11 : memref<!tpu.dma_semaphore, #tpu.memory_space<semaphore_mem>>)
    %dma_start3A_47 = arith.constant 4 : i32
    %dma_start3A_48 = arith.constant 512 : i32
    %dma_start3A_49 = tpu.memref_slice %arg9[%dma_start3A_48] : memref<1024xi32, #tpu.memory_space<vmem>> -> memref<128xi32, #tpu.memory_space<vmem>>
    %dma_start3A_50 = arith.constant 0 : i32
    %dma_start3A_51 = tpu.memref_slice %arg8[%dma_start3A_47, %dma_start3A_50] : memref<8x128xi32, #tpu.memory_space<vmem>> -> memref<1x128xi32, #tpu.memory_space<vmem>>
    %dma_start3A_52 = tpu.memref_squeeze %dma_start3A_51 : memref<1x128xi32, #tpu.memory_space<vmem>> -> memref<128xi32, #tpu.memory_space<vmem>>
    %dma_start3A_53 = arith.constant 0 : i32
    %dma_start3A_54 = tpu.memref_slice %arg2[%dma_start3A_53] : memref<320000xi32, #tpu.memory_space<hbm>> -> memref<320000xi32, #tpu.memory_space<hbm>>
    tpu.enqueue_indirect_dma source(%dma_start3A_54 : memref<320000xi32, #tpu.memory_space<hbm>>) target(%dma_start3A_49 : memref<128xi32, #tpu.memory_space<vmem>>) offsets(%dma_start3A_52 : memref<128xi32, #tpu.memory_space<vmem>>) semaphore(%arg11 : memref<!tpu.dma_semaphore, #tpu.memory_space<semaphore_mem>>)
    %dma_start3A_55 = arith.constant 5 : i32
    %dma_start3A_56 = arith.constant 640 : i32
    %dma_start3A_57 = tpu.memref_slice %arg9[%dma_start3A_56] : memref<1024xi32, #tpu.memory_space<vmem>> -> memref<128xi32, #tpu.memory_space<vmem>>
    %dma_start3A_58 = arith.constant 0 : i32
    %dma_start3A_59 = tpu.memref_slice %arg8[%dma_start3A_55, %dma_start3A_58] : memref<8x128xi32, #tpu.memory_space<vmem>> -> memref<1x128xi32, #tpu.memory_space<vmem>>
    %dma_start3A_60 = tpu.memref_squeeze %dma_start3A_59 : memref<1x128xi32, #tpu.memory_space<vmem>> -> memref<128xi32, #tpu.memory_space<vmem>>
    %dma_start3A_61 = arith.constant 0 : i32
    %dma_start3A_62 = tpu.memref_slice %arg2[%dma_start3A_61] : memref<320000xi32, #tpu.memory_space<hbm>> -> memref<320000xi32, #tpu.memory_space<hbm>>
    tpu.enqueue_indirect_dma source(%dma_start3A_62 : memref<320000xi32, #tpu.memory_space<hbm>>) target(%dma_start3A_57 : memref<128xi32, #tpu.memory_space<vmem>>) offsets(%dma_start3A_60 : memref<128xi32, #tpu.memory_space<vmem>>) semaphore(%arg11 : memref<!tpu.dma_semaphore, #tpu.memory_space<semaphore_mem>>)
    %dma_start3A_63 = arith.constant 6 : i32
    %dma_start3A_64 = arith.constant 768 : i32
    %dma_start3A_65 = tpu.memref_slice %arg9[%dma_start3A_64] : memref<1024xi32, #tpu.memory_space<vmem>> -> memref<128xi32, #tpu.memory_space<vmem>>
    %dma_start3A_66 = arith.constant 0 : i32
    %dma_start3A_67 = tpu.memref_slice %arg8[%dma_start3A_63, %dma_start3A_66] : memref<8x128xi32, #tpu.memory_space<vmem>> -> memref<1x128xi32, #tpu.memory_space<vmem>>
    %dma_start3A_68 = tpu.memref_squeeze %dma_start3A_67 : memref<1x128xi32, #tpu.memory_space<vmem>> -> memref<128xi32, #tpu.memory_space<vmem>>
    %dma_start3A_69 = arith.constant 0 : i32
    %dma_start3A_70 = tpu.memref_slice %arg2[%dma_start3A_69] : memref<320000xi32, #tpu.memory_space<hbm>> -> memref<320000xi32, #tpu.memory_space<hbm>>
    tpu.enqueue_indirect_dma source(%dma_start3A_70 : memref<320000xi32, #tpu.memory_space<hbm>>) target(%dma_start3A_65 : memref<128xi32, #tpu.memory_space<vmem>>) offsets(%dma_start3A_68 : memref<128xi32, #tpu.memory_space<vmem>>) semaphore(%arg11 : memref<!tpu.dma_semaphore, #tpu.memory_space<semaphore_mem>>)
    %dma_start3A_71 = arith.constant 7 : i32
    %dma_start3A_72 = arith.constant 896 : i32
    %dma_start3A_73 = tpu.memref_slice %arg9[%dma_start3A_72] : memref<1024xi32, #tpu.memory_space<vmem>> -> memref<128xi32, #tpu.memory_space<vmem>>
    %dma_start3A_74 = arith.constant 0 : i32
    %dma_start3A_75 = tpu.memref_slice %arg8[%dma_start3A_71, %dma_start3A_74] : memref<8x128xi32, #tpu.memory_space<vmem>> -> memref<1x128xi32, #tpu.memory_space<vmem>>
    %dma_start3A_76 = tpu.memref_squeeze %dma_start3A_75 : memref<1x128xi32, #tpu.memory_space<vmem>> -> memref<128xi32, #tpu.memory_space<vmem>>
    %dma_start3A_77 = arith.constant 0 : i32
    %dma_start3A_78 = tpu.memref_slice %arg2[%dma_start3A_77] : memref<320000xi32, #tpu.memory_space<hbm>> -> memref<320000xi32, #tpu.memory_space<hbm>>
    tpu.enqueue_indirect_dma source(%dma_start3A_78 : memref<320000xi32, #tpu.memory_space<hbm>>) target(%dma_start3A_73 : memref<128xi32, #tpu.memory_space<vmem>>) offsets(%dma_start3A_76 : memref<128xi32, #tpu.memory_space<vmem>>) semaphore(%arg11 : memref<!tpu.dma_semaphore, #tpu.memory_space<semaphore_mem>>)
    %dma_wait3A = arith.constant 0 : i32
    %dma_wait3A_79 = arith.constant 0 : i32
    %dma_wait3A_80 = tpu.memref_slice %arg9[%dma_wait3A_79] : memref<1024xi32, #tpu.memory_space<vmem>> -> memref<128xi32, #tpu.memory_space<vmem>>
    %dma_wait3A_81 = arith.constant 0 : i32
    %dma_wait3A_82 = tpu.memref_slice %arg8[%dma_wait3A, %dma_wait3A_81] : memref<8x128xi32, #tpu.memory_space<vmem>> -> memref<1x128xi32, #tpu.memory_space<vmem>>
    %dma_wait3A_83 = tpu.memref_squeeze %dma_wait3A_82 : memref<1x128xi32, #tpu.memory_space<vmem>> -> memref<128xi32, #tpu.memory_space<vmem>>
    %dma_wait3A_84 = arith.constant 0 : i32
    %dma_wait3A_85 = tpu.memref_slice %arg2[%dma_wait3A_84] : memref<320000xi32, #tpu.memory_space<hbm>> -> memref<320000xi32, #tpu.memory_space<hbm>>
    tpu.wait_indirect_dma semaphore(%arg11 : memref<!tpu.dma_semaphore, #tpu.memory_space<semaphore_mem>>) src(%dma_wait3A_85 : memref<320000xi32, #tpu.memory_space<hbm>>) dst(%dma_wait3A_80 : memref<128xi32, #tpu.memory_space<vmem>>)
    %dma_wait3A_86 = arith.constant 1 : i32
    %dma_wait3A_87 = arith.constant 128 : i32
    %dma_wait3A_88 = tpu.memref_slice %arg9[%dma_wait3A_87] : memref<1024xi32, #tpu.memory_space<vmem>> -> memref<128xi32, #tpu.memory_space<vmem>>
    %dma_wait3A_89 = arith.constant 0 : i32
    %dma_wait3A_90 = tpu.memref_slice %arg8[%dma_wait3A_86, %dma_wait3A_89] : memref<8x128xi32, #tpu.memory_space<vmem>> -> memref<1x128xi32, #tpu.memory_space<vmem>>
    %dma_wait3A_91 = tpu.memref_squeeze %dma_wait3A_90 : memref<1x128xi32, #tpu.memory_space<vmem>> -> memref<128xi32, #tpu.memory_space<vmem>>
    %dma_wait3A_92 = arith.constant 0 : i32
    %dma_wait3A_93 = tpu.memref_slice %arg2[%dma_wait3A_92] : memref<320000xi32, #tpu.memory_space<hbm>> -> memref<320000xi32, #tpu.memory_space<hbm>>
    tpu.wait_indirect_dma semaphore(%arg11 : memref<!tpu.dma_semaphore, #tpu.memory_space<semaphore_mem>>) src(%dma_wait3A_93 : memref<320000xi32, #tpu.memory_space<hbm>>) dst(%dma_wait3A_88 : memref<128xi32, #tpu.memory_space<vmem>>)
    %dma_wait3A_94 = arith.constant 2 : i32
    %dma_wait3A_95 = arith.constant 256 : i32
    %dma_wait3A_96 = tpu.memref_slice %arg9[%dma_wait3A_95] : memref<1024xi32, #tpu.memory_space<vmem>> -> memref<128xi32, #tpu.memory_space<vmem>>
    %dma_wait3A_97 = arith.constant 0 : i32
    %dma_wait3A_98 = tpu.memref_slice %arg8[%dma_wait3A_94, %dma_wait3A_97] : memref<8x128xi32, #tpu.memory_space<vmem>> -> memref<1x128xi32, #tpu.memory_space<vmem>>
    %dma_wait3A_99 = tpu.memref_squeeze %dma_wait3A_98 : memref<1x128xi32, #tpu.memory_space<vmem>> -> memref<128xi32, #tpu.memory_space<vmem>>
    %dma_wait3A_100 = arith.constant 0 : i32
    %dma_wait3A_101 = tpu.memref_slice %arg2[%dma_wait3A_100] : memref<320000xi32, #tpu.memory_space<hbm>> -> memref<320000xi32, #tpu.memory_space<hbm>>
    tpu.wait_indirect_dma semaphore(%arg11 : memref<!tpu.dma_semaphore, #tpu.memory_space<semaphore_mem>>) src(%dma_wait3A_101 : memref<320000xi32, #tpu.memory_space<hbm>>) dst(%dma_wait3A_96 : memref<128xi32, #tpu.memory_space<vmem>>)
    %dma_wait3A_102 = arith.constant 3 : i32
    %dma_wait3A_103 = arith.constant 384 : i32
    %dma_wait3A_104 = tpu.memref_slice %arg9[%dma_wait3A_103] : memref<1024xi32, #tpu.memory_space<vmem>> -> memref<128xi32, #tpu.memory_space<vmem>>
    %dma_wait3A_105 = arith.constant 0 : i32
    %dma_wait3A_106 = tpu.memref_slice %arg8[%dma_wait3A_102, %dma_wait3A_105] : memref<8x128xi32, #tpu.memory_space<vmem>> -> memref<1x128xi32, #tpu.memory_space<vmem>>
    %dma_wait3A_107 = tpu.memref_squeeze %dma_wait3A_106 : memref<1x128xi32, #tpu.memory_space<vmem>> -> memref<128xi32, #tpu.memory_space<vmem>>
    %dma_wait3A_108 = arith.constant 0 : i32
    %dma_wait3A_109 = tpu.memref_slice %arg2[%dma_wait3A_108] : memref<320000xi32, #tpu.memory_space<hbm>> -> memref<320000xi32, #tpu.memory_space<hbm>>
    tpu.wait_indirect_dma semaphore(%arg11 : memref<!tpu.dma_semaphore, #tpu.memory_space<semaphore_mem>>) src(%dma_wait3A_109 : memref<320000xi32, #tpu.memory_space<hbm>>) dst(%dma_wait3A_104 : memref<128xi32, #tpu.memory_space<vmem>>)
    %dma_wait3A_110 = arith.constant 4 : i32
    %dma_wait3A_111 = arith.constant 512 : i32
    %dma_wait3A_112 = tpu.memref_slice %arg9[%dma_wait3A_111] : memref<1024xi32, #tpu.memory_space<vmem>> -> memref<128xi32, #tpu.memory_space<vmem>>
    %dma_wait3A_113 = arith.constant 0 : i32
    %dma_wait3A_114 = tpu.memref_slice %arg8[%dma_wait3A_110, %dma_wait3A_113] : memref<8x128xi32, #tpu.memory_space<vmem>> -> memref<1x128xi32, #tpu.memory_space<vmem>>
    %dma_wait3A_115 = tpu.memref_squeeze %dma_wait3A_114 : memref<1x128xi32, #tpu.memory_space<vmem>> -> memref<128xi32, #tpu.memory_space<vmem>>
    %dma_wait3A_116 = arith.constant 0 : i32
    %dma_wait3A_117 = tpu.memref_slice %arg2[%dma_wait3A_116] : memref<320000xi32, #tpu.memory_space<hbm>> -> memref<320000xi32, #tpu.memory_space<hbm>>
    tpu.wait_indirect_dma semaphore(%arg11 : memref<!tpu.dma_semaphore, #tpu.memory_space<semaphore_mem>>) src(%dma_wait3A_117 : memref<320000xi32, #tpu.memory_space<hbm>>) dst(%dma_wait3A_112 : memref<128xi32, #tpu.memory_space<vmem>>)
    %dma_wait3A_118 = arith.constant 5 : i32
    %dma_wait3A_119 = arith.constant 640 : i32
    %dma_wait3A_120 = tpu.memref_slice %arg9[%dma_wait3A_119] : memref<1024xi32, #tpu.memory_space<vmem>> -> memref<128xi32, #tpu.memory_space<vmem>>
    %dma_wait3A_121 = arith.constant 0 : i32
    %dma_wait3A_122 = tpu.memref_slice %arg8[%dma_wait3A_118, %dma_wait3A_121] : memref<8x128xi32, #tpu.memory_space<vmem>> -> memref<1x128xi32, #tpu.memory_space<vmem>>
    %dma_wait3A_123 = tpu.memref_squeeze %dma_wait3A_122 : memref<1x128xi32, #tpu.memory_space<vmem>> -> memref<128xi32, #tpu.memory_space<vmem>>
    %dma_wait3A_124 = arith.constant 0 : i32
    %dma_wait3A_125 = tpu.memref_slice %arg2[%dma_wait3A_124] : memref<320000xi32, #tpu.memory_space<hbm>> -> memref<320000xi32, #tpu.memory_space<hbm>>
    tpu.wait_indirect_dma semaphore(%arg11 : memref<!tpu.dma_semaphore, #tpu.memory_space<semaphore_mem>>) src(%dma_wait3A_125 : memref<320000xi32, #tpu.memory_space<hbm>>) dst(%dma_wait3A_120 : memref<128xi32, #tpu.memory_space<vmem>>)
    %dma_wait3A_126 = arith.constant 6 : i32
    %dma_wait3A_127 = arith.constant 768 : i32
    %dma_wait3A_128 = tpu.memref_slice %arg9[%dma_wait3A_127] : memref<1024xi32, #tpu.memory_space<vmem>> -> memref<128xi32, #tpu.memory_space<vmem>>
    %dma_wait3A_129 = arith.constant 0 : i32
    %dma_wait3A_130 = tpu.memref_slice %arg8[%dma_wait3A_126, %dma_wait3A_129] : memref<8x128xi32, #tpu.memory_space<vmem>> -> memref<1x128xi32, #tpu.memory_space<vmem>>
    %dma_wait3A_131 = tpu.memref_squeeze %dma_wait3A_130 : memref<1x128xi32, #tpu.memory_space<vmem>> -> memref<128xi32, #tpu.memory_space<vmem>>
    %dma_wait3A_132 = arith.constant 0 : i32
    %dma_wait3A_133 = tpu.memref_slice %arg2[%dma_wait3A_132] : memref<320000xi32, #tpu.memory_space<hbm>> -> memref<320000xi32, #tpu.memory_space<hbm>>
    tpu.wait_indirect_dma semaphore(%arg11 : memref<!tpu.dma_semaphore, #tpu.memory_space<semaphore_mem>>) src(%dma_wait3A_133 : memref<320000xi32, #tpu.memory_space<hbm>>) dst(%dma_wait3A_128 : memref<128xi32, #tpu.memory_space<vmem>>)
    %dma_wait3A_134 = arith.constant 7 : i32
    %dma_wait3A_135 = arith.constant 896 : i32
    %dma_wait3A_136 = tpu.memref_slice %arg9[%dma_wait3A_135] : memref<1024xi32, #tpu.memory_space<vmem>> -> memref<128xi32, #tpu.memory_space<vmem>>
    %dma_wait3A_137 = arith.constant 0 : i32
    %dma_wait3A_138 = tpu.memref_slice %arg8[%dma_wait3A_134, %dma_wait3A_137] : memref<8x128xi32, #tpu.memory_space<vmem>> -> memref<1x128xi32, #tpu.memory_space<vmem>>
    %dma_wait3A_139 = tpu.memref_squeeze %dma_wait3A_138 : memref<1x128xi32, #tpu.memory_space<vmem>> -> memref<128xi32, #tpu.memory_space<vmem>>
    %dma_wait3A_140 = arith.constant 0 : i32
    %dma_wait3A_141 = tpu.memref_slice %arg2[%dma_wait3A_140] : memref<320000xi32, #tpu.memory_space<hbm>> -> memref<320000xi32, #tpu.memory_space<hbm>>
    tpu.wait_indirect_dma semaphore(%arg11 : memref<!tpu.dma_semaphore, #tpu.memory_space<semaphore_mem>>) src(%dma_wait3A_141 : memref<320000xi32, #tpu.memory_space<hbm>>) dst(%dma_wait3A_136 : memref<128xi32, #tpu.memory_space<vmem>>)
    %scan3A_142 = arith.constant 0 : i32
    %scan3A_143 = arith.constant 0 : i32
    %scan3A_144 = arith.constant 0 : i32
    %scan3A_145 = arith.constant 64 : i32
    %scan3A_146 = arith.addi %scan3A_144, %scan3A_145 : i32
    %scan3A_147 = arith.constant 1 : i32
    %scan3A_148:2 = scf.for %scan3A_409 = %scan3A_144 to %scan3A_146 step %scan3A_147 iter_args(%scan3A_410 = %scan3A_142, %scan3A_411 = %scan3A_143) -> (i32, i32)  : i32 {
      %mul3A_412 = arith.constant 16 : i32
      %mul3A_413 = arith.muli %scan3A_409, %mul3A_412 : i32
      %get3A = arith.index_cast %mul3A_413 : i32 to index
      %get3A_414 = tpu.vector_load %arg9[%get3A] {strides = array<i32>} : memref<1024xi32, #tpu.memory_space<vmem>>, vector<16xi32>,
      %lt3A = vector.broadcast %mul3A_2 : i32 to vector<16xi32>
      %lt3A_415 = arith.cmpi slt, %get3A_414, %lt3A : vector<16xi32>
      %jit3A_416 = arith.constant 1 : i32
      %jit3A_417 = arith.constant 0 : i32
      %broadcast_in_dim3A_418 = vector.broadcast %jit3A_416 : i32 to vector<16xi32>
      %broadcast_in_dim3A_419 = vector.broadcast %jit3A_417 : i32 to vector<16xi32>
      %select_n3A_420 = arith.select %lt3A_415, %broadcast_in_dim3A_418, %broadcast_in_dim3A_419 : vector<16xi1>, vector<16xi32>
      %reduce_sum3A = arith.constant true
      %reduce_sum3A_421 = vector.broadcast %reduce_sum3A : i1 to vector<16xi1>
      %reduce_sum3A_422 = tpu.scan <sum>, %select_n3A_420 masked %reduce_sum3A_421 : vector<16xi32>, vector<16xi1> -> vector<16xi32>
      %reduce_sum3A_423 = vector.extract %reduce_sum3A_422[15] : i32 from vector<16xi32>
      %add3A_424 = arith.addi %scan3A_410, %reduce_sum3A_423 : i32
      %lt3A_425 = vector.broadcast %add3A_4 : i32 to vector<16xi32>
      %lt3A_426 = arith.cmpi slt, %get3A_414, %lt3A_425 : vector<16xi32>
      %jit3A_427 = arith.constant 1 : i32
      %jit3A_428 = arith.constant 0 : i32
      %broadcast_in_dim3A_429 = vector.broadcast %jit3A_427 : i32 to vector<16xi32>
      %broadcast_in_dim3A_430 = vector.broadcast %jit3A_428 : i32 to vector<16xi32>
      %select_n3A_431 = arith.select %lt3A_426, %broadcast_in_dim3A_429, %broadcast_in_dim3A_430 : vector<16xi1>, vector<16xi32>
      %reduce_sum3A_432 = arith.constant true
      %reduce_sum3A_433 = vector.broadcast %reduce_sum3A_432 : i1 to vector<16xi1>
      %reduce_sum3A_434 = tpu.scan <sum>, %select_n3A_431 masked %reduce_sum3A_433 : vector<16xi32>, vector<16xi1> -> vector<16xi32>
      %reduce_sum3A_435 = vector.extract %reduce_sum3A_434[15] : i32 from vector<16xi32>
      %add3A_436 = arith.addi %scan3A_411, %reduce_sum3A_435 : i32
      scf.yield %add3A_424, %add3A_436 : i32, i32
    }
    %scan3A_149 = arith.constant 64 : i32
    %eq3A = arith.constant 0 : i32
    %eq3A_150 = arith.cmpi eq, %scan3A_148#0, %eq3A : i32
    %sub3A = arith.constant 1 : i32
    %sub3A_151 = arith.subi %scan3A_148#0, %sub3A : i32
    %mul3A_152 = arith.constant 320000 : i32
    %mul3A_153 = arith.muli %sub3A_151, %mul3A_152 : i32
    %jit3A = arith.constant 1024 : i32
    %div3A = arith.divsi %mul3A_153, %jit3A : i32
    %sign3A = arith.constant 0 : i32
    %sign3A_154 = arith.cmpi sgt, %mul3A_153, %sign3A : i32
    %sign3A_155 = arith.extui %sign3A_154 : i1 to i32
    %sign3A_156 = arith.constant 0 : i32
    %sign3A_157 = arith.cmpi slt, %mul3A_153, %sign3A_156 : i32
    %sign3A_158 = arith.extui %sign3A_157 : i1 to i32
    %sign3A_159 = arith.subi %sign3A_155, %sign3A_158 : i32
    %sign3A_160 = arith.constant 0 : i32
    %sign3A_161 = arith.cmpi sgt, %jit3A, %sign3A_160 : i32
    %sign3A_162 = arith.extui %sign3A_161 : i1 to i32
    %sign3A_163 = arith.constant 0 : i32
    %sign3A_164 = arith.cmpi slt, %jit3A, %sign3A_163 : i32
    %sign3A_165 = arith.extui %sign3A_164 : i1 to i32
    %sign3A_166 = arith.subi %sign3A_162, %sign3A_165 : i32
    %ne3A = arith.cmpi ne, %sign3A_159, %sign3A_166 : i32
    %rem3A = arith.remsi %mul3A_153, %jit3A : i32
    %ne3A_167 = arith.constant 0 : i32
    %ne3A_168 = arith.cmpi ne, %rem3A, %ne3A_167 : i32
    %and3A = arith.andi %ne3A, %ne3A_168 : i1
    %sub3A_169 = arith.constant 1 : i32
    %sub3A_170 = arith.subi %div3A, %sub3A_169 : i32
    %select_n3A = arith.select %and3A, %sub3A_170, %div3A : i32
    %add3A_171 = arith.constant 1 : i32
    %add3A_172 = arith.addi %select_n3A, %add3A_171 : i32
    %jit3A_173 = arith.constant 0 : i32
    %select_n3A_174 = arith.select %eq3A_150, %jit3A_173, %add3A_172 : i32
    %ge3A = arith.constant 1024 : i32
    %ge3A_175 = arith.cmpi sge, %scan3A_148#0, %ge3A : i32
    %mul3A_176 = arith.constant 320000 : i32
    %mul3A_177 = arith.muli %scan3A_148#0, %mul3A_176 : i32
    %jit3A_178 = arith.constant 1024 : i32
    %div3A_179 = arith.divsi %mul3A_177, %jit3A_178 : i32
    %sign3A_180 = arith.constant 0 : i32
    %sign3A_181 = arith.cmpi sgt, %mul3A_177, %sign3A_180 : i32
    %sign3A_182 = arith.extui %sign3A_181 : i1 to i32
    %sign3A_183 = arith.constant 0 : i32
    %sign3A_184 = arith.cmpi slt, %mul3A_177, %sign3A_183 : i32
    %sign3A_185 = arith.extui %sign3A_184 : i1 to i32
    %sign3A_186 = arith.subi %sign3A_182, %sign3A_185 : i32
    %sign3A_187 = arith.constant 0 : i32
    %sign3A_188 = arith.cmpi sgt, %jit3A_178, %sign3A_187 : i32
    %sign3A_189 = arith.extui %sign3A_188 : i1 to i32
    %sign3A_190 = arith.constant 0 : i32
    %sign3A_191 = arith.cmpi slt, %jit3A_178, %sign3A_190 : i32
    %sign3A_192 = arith.extui %sign3A_191 : i1 to i32
    %sign3A_193 = arith.subi %sign3A_189, %sign3A_192 : i32
    %ne3A_194 = arith.cmpi ne, %sign3A_186, %sign3A_193 : i32
    %rem3A_195 = arith.remsi %mul3A_177, %jit3A_178 : i32
    %ne3A_196 = arith.constant 0 : i32
    %ne3A_197 = arith.cmpi ne, %rem3A_195, %ne3A_196 : i32
    %and3A_198 = arith.andi %ne3A_194, %ne3A_197 : i1
    %sub3A_199 = arith.constant 1 : i32
    %sub3A_200 = arith.subi %div3A_179, %sub3A_199 : i32
    %select_n3A_201 = arith.select %and3A_198, %sub3A_200, %div3A_179 : i32
    %jit3A_202 = arith.constant 320000 : i32
    %select_n3A_203 = arith.select %ge3A_175, %jit3A_202, %select_n3A_201 : i32
    %jit3A_204 = arith.constant 8 : i32
    %div3A_205 = arith.divsi %select_n3A_174, %jit3A_204 : i32
    %sign3A_206 = arith.constant 0 : i32
    %sign3A_207 = arith.cmpi sgt, %select_n3A_174, %sign3A_206 : i32
    %sign3A_208 = arith.extui %sign3A_207 : i1 to i32
    %sign3A_209 = arith.constant 0 : i32
    %sign3A_210 = arith.cmpi slt, %select_n3A_174, %sign3A_209 : i32
    %sign3A_211 = arith.extui %sign3A_210 : i1 to i32
    %sign3A_212 = arith.subi %sign3A_208, %sign3A_211 : i32
    %sign3A_213 = arith.constant 0 : i32
    %sign3A_214 = arith.cmpi sgt, %jit3A_204, %sign3A_213 : i32
    %sign3A_215 = arith.extui %sign3A_214 : i1 to i32
    %sign3A_216 = arith.constant 0 : i32
    %sign3A_217 = arith.cmpi slt, %jit3A_204, %sign3A_216 : i32
    %sign3A_218 = arith.extui %sign3A_217 : i1 to i32
    %sign3A_219 = arith.subi %sign3A_215, %sign3A_218 : i32
    %ne3A_220 = arith.cmpi ne, %sign3A_212, %sign3A_219 : i32
    %rem3A_221 = arith.remsi %select_n3A_174, %jit3A_204 : i32
    %ne3A_222 = arith.constant 0 : i32
    %ne3A_223 = arith.cmpi ne, %rem3A_221, %ne3A_222 : i32
    %and3A_224 = arith.andi %ne3A_220, %ne3A_223 : i1
    %sub3A_225 = arith.constant 1 : i32
    %sub3A_226 = arith.subi %div3A_205, %sub3A_225 : i32
    %select_n3A_227 = arith.select %and3A_224, %sub3A_226, %div3A_205 : i32
    %mul3A_228 = arith.constant 8 : i32
    %mul3A_229 = arith.muli %select_n3A_227, %mul3A_228 : i32
    %min3A = arith.constant 319664 : i32
    %min3A_230 = arith.minsi %mul3A_229, %min3A : i32
    %multiple_of3A = tpu.assume_multiple %min3A_230, 8 : i32
    "tpu.region"() ({
      %run_scoped3A = tpu.sem_alloc : memref<!tpu.dma_semaphore, #tpu.memory_space<semaphore_mem>>
      %dma_start3A_409 = tpu.memref_slice %arg2[%multiple_of3A] : memref<320000xi32, #tpu.memory_space<hbm>> -> memref<336xi32, #tpu.memory_space<hbm>>
      %dma_start3A_410 = tpu.memref_slice %arg2[%multiple_of3A] : memref<320000xi32, #tpu.memory_space<hbm>> -> memref<336xi32, #tpu.memory_space<hbm>>
      tpu.enqueue_dma source(%dma_start3A_410 : memref<336xi32, #tpu.memory_space<hbm>>) target(%arg10 : memref<336xi32, #tpu.memory_space<vmem>>) target_semaphore(%run_scoped3A : memref<!tpu.dma_semaphore, #tpu.memory_space<semaphore_mem>>)
      %dma_wait3A_411 = tpu.memref_slice %arg2[%multiple_of3A] : memref<320000xi32, #tpu.memory_space<hbm>> -> memref<336xi32, #tpu.memory_space<hbm>>
      %dma_wait3A_412 = tpu.memref_slice %arg2[%multiple_of3A] : memref<320000xi32, #tpu.memory_space<hbm>> -> memref<336xi32, #tpu.memory_space<hbm>>
      tpu.wait_dma2 semaphore(%run_scoped3A : memref<!tpu.dma_semaphore, #tpu.memory_space<semaphore_mem>>) src(%dma_wait3A_412 : memref<336xi32, #tpu.memory_space<hbm>>) dst(%arg10 : memref<336xi32, #tpu.memory_space<vmem>>)
      tpu.yield
    }) : () -> ()
    %scan3A_231 = arith.constant 0 : i32
    %scan3A_232 = arith.constant 0 : i32
    %scan3A_233 = arith.constant 21 : i32
    %scan3A_234 = arith.addi %scan3A_232, %scan3A_233 : i32
    %scan3A_235 = arith.constant 1 : i32
    %scan3A_236 = scf.for %scan3A_409 = %scan3A_232 to %scan3A_234 step %scan3A_235 iter_args(%scan3A_410 = %scan3A_231) -> (i32)  : i32 {
      %mul3A_411 = arith.constant 16 : i32
      %mul3A_412 = arith.muli %scan3A_409, %mul3A_411 : i32
      %get3A = arith.index_cast %mul3A_412 : i32 to index
      %get3A_413 = tpu.vector_load %arg10[%get3A] {strides = array<i32>} : memref<336xi32, #tpu.memory_space<vmem>>, vector<16xi32>,
      %mul3A_414 = arith.constant 16 : i32
      %mul3A_415 = arith.muli %scan3A_409, %mul3A_414 : i32
      %add3A_416 = arith.addi %multiple_of3A, %mul3A_415 : i32
      %add3A_417 = vector.broadcast %add3A_416 : i32 to vector<16xi32>
      %add3A_418 = arith.addi %add3A_417, %iota3A : vector<16xi32>
      %ge3A_419 = vector.broadcast %select_n3A_174 : i32 to vector<16xi32>
      %ge3A_420 = arith.cmpi sge, %add3A_418, %ge3A_419 : vector<16xi32>
      %lt3A = vector.broadcast %select_n3A_203 : i32 to vector<16xi32>
      %lt3A_421 = arith.cmpi slt, %add3A_418, %lt3A : vector<16xi32>
      %and3A_422 = arith.andi %ge3A_420, %lt3A_421 : vector<16xi1>
      %lt3A_423 = vector.broadcast %mul3A_2 : i32 to vector<16xi32>
      %lt3A_424 = arith.cmpi slt, %get3A_413, %lt3A_423 : vector<16xi32>
      %and3A_425 = arith.andi %and3A_422, %lt3A_424 : vector<16xi1>
      %jit3A_426 = arith.constant 1 : i32
      %jit3A_427 = arith.constant 0 : i32
      %broadcast_in_dim3A_428 = vector.broadcast %jit3A_426 : i32 to vector<16xi32>
      %broadcast_in_dim3A_429 = vector.broadcast %jit3A_427 : i32 to vector<16xi32>
      %select_n3A_430 = arith.select %and3A_425, %broadcast_in_dim3A_428, %broadcast_in_dim3A_429 : vector<16xi1>, vector<16xi32>
      %reduce_sum3A = arith.constant true
      %reduce_sum3A_431 = vector.broadcast %reduce_sum3A : i1 to vector<16xi1>
      %reduce_sum3A_432 = tpu.scan <sum>, %select_n3A_430 masked %reduce_sum3A_431 : vector<16xi32>, vector<16xi1> -> vector<16xi32>
      %reduce_sum3A_433 = vector.extract %reduce_sum3A_432[15] : i32 from vector<16xi32>
      %add3A_434 = arith.addi %scan3A_410, %reduce_sum3A_433 : i32
      scf.yield %add3A_434 : i32
    }
    %scan3A_237 = arith.constant 21 : i32
    %add3A_238 = arith.addi %select_n3A_174, %scan3A_236 : i32
    %eq3A_239 = arith.constant 0 : i32
    %eq3A_240 = arith.cmpi eq, %scan3A_148#1, %eq3A_239 : i32
    %sub3A_241 = arith.constant 1 : i32
    %sub3A_242 = arith.subi %scan3A_148#1, %sub3A_241 : i32
    %mul3A_243 = arith.constant 320000 : i32
    %mul3A_244 = arith.muli %sub3A_242, %mul3A_243 : i32
    %jit3A_245 = arith.constant 1024 : i32
    %div3A_246 = arith.divsi %mul3A_244, %jit3A_245 : i32
    %sign3A_247 = arith.constant 0 : i32
    %sign3A_248 = arith.cmpi sgt, %mul3A_244, %sign3A_247 : i32
    %sign3A_249 = arith.extui %sign3A_248 : i1 to i32
    %sign3A_250 = arith.constant 0 : i32
    %sign3A_251 = arith.cmpi slt, %mul3A_244, %sign3A_250 : i32
    %sign3A_252 = arith.extui %sign3A_251 : i1 to i32
    %sign3A_253 = arith.subi %sign3A_249, %sign3A_252 : i32
    %sign3A_254 = arith.constant 0 : i32
    %sign3A_255 = arith.cmpi sgt, %jit3A_245, %sign3A_254 : i32
    %sign3A_256 = arith.extui %sign3A_255 : i1 to i32
    %sign3A_257 = arith.constant 0 : i32
    %sign3A_258 = arith.cmpi slt, %jit3A_245, %sign3A_257 : i32
    %sign3A_259 = arith.extui %sign3A_258 : i1 to i32
    %sign3A_260 = arith.subi %sign3A_256, %sign3A_259 : i32
    %ne3A_261 = arith.cmpi ne, %sign3A_253, %sign3A_260 : i32
    %rem3A_262 = arith.remsi %mul3A_244, %jit3A_245 : i32
    %ne3A_263 = arith.constant 0 : i32
    %ne3A_264 = arith.cmpi ne, %rem3A_262, %ne3A_263 : i32
    %and3A_265 = arith.andi %ne3A_261, %ne3A_264 : i1
    %sub3A_266 = arith.constant 1 : i32
    %sub3A_267 = arith.subi %div3A_246, %sub3A_266 : i32
    %select_n3A_268 = arith.select %and3A_265, %sub3A_267, %div3A_246 : i32
    %add3A_269 = arith.constant 1 : i32
    %add3A_270 = arith.addi %select_n3A_268, %add3A_269 : i32
    %jit3A_271 = arith.constant 0 : i32
    %select_n3A_272 = arith.select %eq3A_240, %jit3A_271, %add3A_270 : i32
    %ge3A_273 = arith.constant 1024 : i32
    %ge3A_274 = arith.cmpi sge, %scan3A_148#1, %ge3A_273 : i32
    %mul3A_275 = arith.constant 320000 : i32
    %mul3A_276 = arith.muli %scan3A_148#1, %mul3A_275 : i32
    %jit3A_277 = arith.constant 1024 : i32
    %div3A_278 = arith.divsi %mul3A_276, %jit3A_277 : i32
    %sign3A_279 = arith.constant 0 : i32
    %sign3A_280 = arith.cmpi sgt, %mul3A_276, %sign3A_279 : i32
    %sign3A_281 = arith.extui %sign3A_280 : i1 to i32
    %sign3A_282 = arith.constant 0 : i32
    %sign3A_283 = arith.cmpi slt, %mul3A_276, %sign3A_282 : i32
    %sign3A_284 = arith.extui %sign3A_283 : i1 to i32
    %sign3A_285 = arith.subi %sign3A_281, %sign3A_284 : i32
    %sign3A_286 = arith.constant 0 : i32
    %sign3A_287 = arith.cmpi sgt, %jit3A_277, %sign3A_286 : i32
    %sign3A_288 = arith.extui %sign3A_287 : i1 to i32
    %sign3A_289 = arith.constant 0 : i32
    %sign3A_290 = arith.cmpi slt, %jit3A_277, %sign3A_289 : i32
    %sign3A_291 = arith.extui %sign3A_290 : i1 to i32
    %sign3A_292 = arith.subi %sign3A_288, %sign3A_291 : i32
    %ne3A_293 = arith.cmpi ne, %sign3A_285, %sign3A_292 : i32
    %rem3A_294 = arith.remsi %mul3A_276, %jit3A_277 : i32
    %ne3A_295 = arith.constant 0 : i32
    %ne3A_296 = arith.cmpi ne, %rem3A_294, %ne3A_295 : i32
    %and3A_297 = arith.andi %ne3A_293, %ne3A_296 : i1
    %sub3A_298 = arith.constant 1 : i32
    %sub3A_299 = arith.subi %div3A_278, %sub3A_298 : i32
    %select_n3A_300 = arith.select %and3A_297, %sub3A_299, %div3A_278 : i32
    %jit3A_301 = arith.constant 320000 : i32
    %select_n3A_302 = arith.select %ge3A_274, %jit3A_301, %select_n3A_300 : i32
    %jit3A_303 = arith.constant 8 : i32
    %div3A_304 = arith.divsi %select_n3A_272, %jit3A_303 : i32
    %sign3A_305 = arith.constant 0 : i32
    %sign3A_306 = arith.cmpi sgt, %select_n3A_272, %sign3A_305 : i32
    %sign3A_307 = arith.extui %sign3A_306 : i1 to i32
    %sign3A_308 = arith.constant 0 : i32
    %sign3A_309 = arith.cmpi slt, %select_n3A_272, %sign3A_308 : i32
    %sign3A_310 = arith.extui %sign3A_309 : i1 to i32
    %sign3A_311 = arith.subi %sign3A_307, %sign3A_310 : i32
    %sign3A_312 = arith.constant 0 : i32
    %sign3A_313 = arith.cmpi sgt, %jit3A_303, %sign3A_312 : i32
    %sign3A_314 = arith.extui %sign3A_313 : i1 to i32
    %sign3A_315 = arith.constant 0 : i32
    %sign3A_316 = arith.cmpi slt, %jit3A_303, %sign3A_315 : i32
    %sign3A_317 = arith.extui %sign3A_316 : i1 to i32
    %sign3A_318 = arith.subi %sign3A_314, %sign3A_317 : i32
    %ne3A_319 = arith.cmpi ne, %sign3A_311, %sign3A_318 : i32
    %rem3A_320 = arith.remsi %select_n3A_272, %jit3A_303 : i32
    %ne3A_321 = arith.constant 0 : i32
    %ne3A_322 = arith.cmpi ne, %rem3A_320, %ne3A_321 : i32
    %and3A_323 = arith.andi %ne3A_319, %ne3A_322 : i1
    %sub3A_324 = arith.constant 1 : i32
    %sub3A_325 = arith.subi %div3A_304, %sub3A_324 : i32
    %select_n3A_326 = arith.select %and3A_323, %sub3A_325, %div3A_304 : i32
    %mul3A_327 = arith.constant 8 : i32
    %mul3A_328 = arith.muli %select_n3A_326, %mul3A_327 : i32
    %min3A_329 = arith.constant 319664 : i32
    %min3A_330 = arith.minsi %mul3A_328, %min3A_329 : i32
    %multiple_of3A_331 = tpu.assume_multiple %min3A_330, 8 : i32
    "tpu.region"() ({
      %run_scoped3A = tpu.sem_alloc : memref<!tpu.dma_semaphore, #tpu.memory_space<semaphore_mem>>
      %dma_start3A_409 = tpu.memref_slice %arg2[%multiple_of3A_331] : memref<320000xi32, #tpu.memory_space<hbm>> -> memref<336xi32, #tpu.memory_space<hbm>>
      %dma_start3A_410 = tpu.memref_slice %arg2[%multiple_of3A_331] : memref<320000xi32, #tpu.memory_space<hbm>> -> memref<336xi32, #tpu.memory_space<hbm>>
      tpu.enqueue_dma source(%dma_start3A_410 : memref<336xi32, #tpu.memory_space<hbm>>) target(%arg10 : memref<336xi32, #tpu.memory_space<vmem>>) target_semaphore(%run_scoped3A : memref<!tpu.dma_semaphore, #tpu.memory_space<semaphore_mem>>)
      %dma_wait3A_411 = tpu.memref_slice %arg2[%multiple_of3A_331] : memref<320000xi32, #tpu.memory_space<hbm>> -> memref<336xi32, #tpu.memory_space<hbm>>
      %dma_wait3A_412 = tpu.memref_slice %arg2[%multiple_of3A_331] : memref<320000xi32, #tpu.memory_space<hbm>> -> memref<336xi32, #tpu.memory_space<hbm>>
      tpu.wait_dma2 semaphore(%run_scoped3A : memref<!tpu.dma_semaphore, #tpu.memory_space<semaphore_mem>>) src(%dma_wait3A_412 : memref<336xi32, #tpu.memory_space<hbm>>) dst(%arg10 : memref<336xi32, #tpu.memory_space<vmem>>)
      tpu.yield
    }) : () -> ()
    %scan3A_332 = arith.constant 0 : i32
    %scan3A_333 = arith.constant 0 : i32
    %scan3A_334 = arith.constant 21 : i32
    %scan3A_335 = arith.addi %scan3A_333, %scan3A_334 : i32
    %scan3A_336 = arith.constant 1 : i32
    %scan3A_337 = scf.for %scan3A_409 = %scan3A_333 to %scan3A_335 step %scan3A_336 iter_args(%scan3A_410 = %scan3A_332) -> (i32)  : i32 {
      %mul3A_411 = arith.constant 16 : i32
      %mul3A_412 = arith.muli %scan3A_409, %mul3A_411 : i32
      %get3A = arith.index_cast %mul3A_412 : i32 to index
      %get3A_413 = tpu.vector_load %arg10[%get3A] {strides = array<i32>} : memref<336xi32, #tpu.memory_space<vmem>>, vector<16xi32>,
      %mul3A_414 = arith.constant 16 : i32
      %mul3A_415 = arith.muli %scan3A_409, %mul3A_414 : i32
      %add3A_416 = arith.addi %multiple_of3A_331, %mul3A_415 : i32
      %add3A_417 = vector.broadcast %add3A_416 : i32 to vector<16xi32>
      %add3A_418 = arith.addi %add3A_417, %iota3A : vector<16xi32>
      %ge3A_419 = vector.broadcast %select_n3A_272 : i32 to vector<16xi32>
      %ge3A_420 = arith.cmpi sge, %add3A_418, %ge3A_419 : vector<16xi32>
      %lt3A = vector.broadcast %select_n3A_302 : i32 to vector<16xi32>
      %lt3A_421 = arith.cmpi slt, %add3A_418, %lt3A : vector<16xi32>
      %and3A_422 = arith.andi %ge3A_420, %lt3A_421 : vector<16xi1>
      %lt3A_423 = vector.broadcast %add3A_4 : i32 to vector<16xi32>
      %lt3A_424 = arith.cmpi slt, %get3A_413, %lt3A_423 : vector<16xi32>
      %and3A_425 = arith.andi %and3A_422, %lt3A_424 : vector<16xi1>
      %jit3A_426 = arith.constant 1 : i32
      %jit3A_427 = arith.constant 0 : i32
      %broadcast_in_dim3A_428 = vector.broadcast %jit3A_426 : i32 to vector<16xi32>
      %broadcast_in_dim3A_429 = vector.broadcast %jit3A_427 : i32 to vector<16xi32>
      %select_n3A_430 = arith.select %and3A_425, %broadcast_in_dim3A_428, %broadcast_in_dim3A_429 : vector<16xi1>, vector<16xi32>
      %reduce_sum3A = arith.constant true
      %reduce_sum3A_431 = vector.broadcast %reduce_sum3A : i1 to vector<16xi1>
      %reduce_sum3A_432 = tpu.scan <sum>, %select_n3A_430 masked %reduce_sum3A_431 : vector<16xi32>, vector<16xi1> -> vector<16xi32>
      %reduce_sum3A_433 = vector.extract %reduce_sum3A_432[15] : i32 from vector<16xi32>
      %add3A_434 = arith.addi %scan3A_410, %reduce_sum3A_433 : i32
      scf.yield %add3A_434 : i32
    }
    %scan3A_338 = arith.constant 21 : i32
    %add3A_339 = arith.addi %select_n3A_272, %scan3A_337 : i32
    %jit3A_340 = arith.constant 8 : i32
    %div3A_341 = arith.divsi %add3A_238, %jit3A_340 : i32
    %sign3A_342 = arith.constant 0 : i32
    %sign3A_343 = arith.cmpi sgt, %add3A_238, %sign3A_342 : i32
    %sign3A_344 = arith.extui %sign3A_343 : i1 to i32
    %sign3A_345 = arith.constant 0 : i32
    %sign3A_346 = arith.cmpi slt, %add3A_238, %sign3A_345 : i32
    %sign3A_347 = arith.extui %sign3A_346 : i1 to i32
    %sign3A_348 = arith.subi %sign3A_344, %sign3A_347 : i32
    %sign3A_349 = arith.constant 0 : i32
    %sign3A_350 = arith.cmpi sgt, %jit3A_340, %sign3A_349 : i32
    %sign3A_351 = arith.extui %sign3A_350 : i1 to i32
    %sign3A_352 = arith.constant 0 : i32
    %sign3A_353 = arith.cmpi slt, %jit3A_340, %sign3A_352 : i32
    %sign3A_354 = arith.extui %sign3A_353 : i1 to i32
    %sign3A_355 = arith.subi %sign3A_351, %sign3A_354 : i32
    %ne3A_356 = arith.cmpi ne, %sign3A_348, %sign3A_355 : i32
    %rem3A_357 = arith.remsi %add3A_238, %jit3A_340 : i32
    %ne3A_358 = arith.constant 0 : i32
    %ne3A_359 = arith.cmpi ne, %rem3A_357, %ne3A_358 : i32
    %and3A_360 = arith.andi %ne3A_356, %ne3A_359 : i1
    %sub3A_361 = arith.constant 1 : i32
    %sub3A_362 = arith.subi %div3A_341, %sub3A_361 : i32
    %select_n3A_363 = arith.select %and3A_360, %sub3A_362, %div3A_341 : i32
    %mul3A_364 = arith.constant 8 : i32
    %mul3A_365 = arith.muli %select_n3A_363, %mul3A_364 : i32
    %multiple_of3A_366 = tpu.assume_multiple %mul3A_365, 8 : i32
    %sub3A_367 = arith.subi %add3A_339, %multiple_of3A_366 : i32
    %add3A_368 = arith.constant 4096 : i32
    %add3A_369 = arith.addi %sub3A_367, %add3A_368 : i32
    %sub3A_370 = arith.constant 1 : i32
    %sub3A_371 = arith.subi %add3A_369, %sub3A_370 : i32
    %jit3A_372 = arith.constant 4096 : i32
    %div3A_373 = arith.divsi %sub3A_371, %jit3A_372 : i32
    %sign3A_374 = arith.constant 0 : i32
    %sign3A_375 = arith.cmpi sgt, %sub3A_371, %sign3A_374 : i32
    %sign3A_376 = arith.extui %sign3A_375 : i1 to i32
    %sign3A_377 = arith.constant 0 : i32
    %sign3A_378 = arith.cmpi slt, %sub3A_371, %sign3A_377 : i32
    %sign3A_379 = arith.extui %sign3A_378 : i1 to i32
    %sign3A_380 = arith.subi %sign3A_376, %sign3A_379 : i32
    %sign3A_381 = arith.constant 0 : i32
    %sign3A_382 = arith.cmpi sgt, %jit3A_372, %sign3A_381 : i32
    %sign3A_383 = arith.extui %sign3A_382 : i1 to i32
    %sign3A_384 = arith.constant 0 : i32
    %sign3A_385 = arith.cmpi slt, %jit3A_372, %sign3A_384 : i32
    %sign3A_386 = arith.extui %sign3A_385 : i1 to i32
    %sign3A_387 = arith.subi %sign3A_383, %sign3A_386 : i32
    %ne3A_388 = arith.cmpi ne, %sign3A_380, %sign3A_387 : i32
    %rem3A_389 = arith.remsi %sub3A_371, %jit3A_372 : i32
    %ne3A_390 = arith.constant 0 : i32
    %ne3A_391 = arith.cmpi ne, %rem3A_389, %ne3A_390 : i32
    %and3A_392 = arith.andi %ne3A_388, %ne3A_391 : i1
    %sub3A_393 = arith.constant 1 : i32
    %sub3A_394 = arith.subi %div3A_373, %sub3A_393 : i32
    %select_n3A_395 = arith.select %and3A_392, %sub3A_394, %div3A_373 : i32
    %broadcast_in_dim3A = arith.constant 1.000000e+00 : f32
    %broadcast_in_dim3A_396 = vector.broadcast %broadcast_in_dim3A : f32 to vector<16xf32>
    %while3A = arith.constant 0 : i32
    %while3A_397 = arith.subi %select_n3A_395, %while3A : i32
    %while3A_398 = arith.addi %while3A, %while3A_397 : i32
    %while3A_399 = arith.constant 1 : i32
    %while3A_400 = arith.divsi %while3A_397, %while3A_399 : i32
    %while3A_401 = arith.muli %while3A_400, %while3A_399 : i32
    %while3A_402 = arith.addi %while3A, %while3A_401 : i32
    %while3A_403 = arith.constant 1 : i32
    %while3A_404 = scf.for %while3A_409 = %while3A to %while3A_402 step %while3A_403 iter_args(%while3A_410 = %add3A_238) -> (i32)  : i32 {
      %mul3A_411 = arith.constant 4096 : i32
      %mul3A_412 = arith.muli %while3A_409, %mul3A_411 : i32
      %add3A_413 = arith.addi %multiple_of3A_366, %mul3A_412 : i32
      %min3A_414 = arith.constant 315904 : i32
      %min3A_415 = arith.minsi %add3A_413, %min3A_414 : i32
      %multiple_of3A_416 = tpu.assume_multiple %min3A_415, 8 : i32
      "tpu.region"() ({
        %run_scoped3A = tpu.sem_alloc : memref<!tpu.dma_semaphore, #tpu.memory_space<semaphore_mem>>
        %dma_start3A_425 = tpu.memref_slice %arg2[%multiple_of3A_416] : memref<320000xi32, #tpu.memory_space<hbm>> -> memref<4096xi32, #tpu.memory_space<hbm>>
        %dma_start3A_426 = tpu.memref_slice %arg2[%multiple_of3A_416] : memref<320000xi32, #tpu.memory_space<hbm>> -> memref<4096xi32, #tpu.memory_space<hbm>>
        tpu.enqueue_dma source(%dma_start3A_426 : memref<4096xi32, #tpu.memory_space<hbm>>) target(%arg6 : memref<4096xi32, #tpu.memory_space<vmem>>) target_semaphore(%run_scoped3A : memref<!tpu.dma_semaphore, #tpu.memory_space<semaphore_mem>>)
        %dma_wait3A_427 = tpu.memref_slice %arg2[%multiple_of3A_416] : memref<320000xi32, #tpu.memory_space<hbm>> -> memref<4096xi32, #tpu.memory_space<hbm>>
        %dma_wait3A_428 = tpu.memref_slice %arg2[%multiple_of3A_416] : memref<320000xi32, #tpu.memory_space<hbm>> -> memref<4096xi32, #tpu.memory_space<hbm>>
        tpu.wait_dma2 semaphore(%run_scoped3A : memref<!tpu.dma_semaphore, #tpu.memory_space<semaphore_mem>>) src(%dma_wait3A_428 : memref<4096xi32, #tpu.memory_space<hbm>>) dst(%arg6 : memref<4096xi32, #tpu.memory_space<vmem>>)
        tpu.yield
      }) : () -> ()
      "tpu.region"() ({
        %run_scoped3A = tpu.sem_alloc : memref<!tpu.dma_semaphore, #tpu.memory_space<semaphore_mem>>
        %dma_start3A_425 = tpu.memref_slice %arg3[%multiple_of3A_416] : memref<320000xi32, #tpu.memory_space<hbm>> -> memref<4096xi32, #tpu.memory_space<hbm>>
        %dma_start3A_426 = tpu.memref_slice %arg3[%multiple_of3A_416] : memref<320000xi32, #tpu.memory_space<hbm>> -> memref<4096xi32, #tpu.memory_space<hbm>>
        tpu.enqueue_dma source(%dma_start3A_426 : memref<4096xi32, #tpu.memory_space<hbm>>) target(%arg7 : memref<4096xi32, #tpu.memory_space<vmem>>) target_semaphore(%run_scoped3A : memref<!tpu.dma_semaphore, #tpu.memory_space<semaphore_mem>>)
        %dma_wait3A_427 = tpu.memref_slice %arg3[%multiple_of3A_416] : memref<320000xi32, #tpu.memory_space<hbm>> -> memref<4096xi32, #tpu.memory_space<hbm>>
        %dma_wait3A_428 = tpu.memref_slice %arg3[%multiple_of3A_416] : memref<320000xi32, #tpu.memory_space<hbm>> -> memref<4096xi32, #tpu.memory_space<hbm>>
        tpu.wait_dma2 semaphore(%run_scoped3A : memref<!tpu.dma_semaphore, #tpu.memory_space<semaphore_mem>>) src(%dma_wait3A_428 : memref<4096xi32, #tpu.memory_space<hbm>>) dst(%arg7 : memref<4096xi32, #tpu.memory_space<vmem>>)
        tpu.yield
      }) : () -> ()
      %scan3A_417 = arith.constant 0 : i32
      %scan3A_418 = arith.constant 0 : i32
      %scan3A_419 = arith.constant 256 : i32
      %scan3A_420 = arith.addi %scan3A_418, %scan3A_419 : i32
      %scan3A_421 = arith.constant 1 : i32
      scf.for %scan3A_425 = %scan3A_418 to %scan3A_420 step %scan3A_421  : i32 {
        %mul3A_426 = arith.constant 16 : i32
        %mul3A_427 = arith.muli %scan3A_425, %mul3A_426 : i32
        %get3A = arith.index_cast %mul3A_427 : i32 to index
        %get3A_428 = tpu.vector_load %arg6[%get3A] {strides = array<i32>} : memref<4096xi32, #tpu.memory_space<vmem>>, vector<16xi32>,
        %mul3A_429 = arith.constant 16 : i32
        %mul3A_430 = arith.muli %scan3A_425, %mul3A_429 : i32
        %get3A_431 = arith.index_cast %mul3A_430 : i32 to index
        %get3A_432 = tpu.vector_load %arg7[%get3A_431] {strides = array<i32>} : memref<4096xi32, #tpu.memory_space<vmem>>, vector<16xi32>,
        %mul3A_433 = arith.constant 16 : i32
        %mul3A_434 = arith.muli %scan3A_425, %mul3A_433 : i32
        %add3A_435 = arith.addi %multiple_of3A_416, %mul3A_434 : i32
        %add3A_436 = vector.broadcast %add3A_435 : i32 to vector<16xi32>
        %add3A_437 = arith.addi %add3A_436, %iota3A : vector<16xi32>
        %ge3A_438 = vector.broadcast %while3A_410 : i32 to vector<16xi32>
        %ge3A_439 = arith.cmpi sge, %add3A_437, %ge3A_438 : vector<16xi32>
        %lt3A = vector.broadcast %add3A_339 : i32 to vector<16xi32>
        %lt3A_440 = arith.cmpi slt, %add3A_437, %lt3A : vector<16xi32>
        %and3A_441 = arith.andi %ge3A_439, %lt3A_440 : vector<16xi1>
        %sub3A_442 = vector.broadcast %mul3A_2 : i32 to vector<16xi32>
        %sub3A_443 = arith.subi %get3A_428, %sub3A_442 : vector<16xi32>
        %mul3A_444 = arith.constant 128 : i32
        %mul3A_445 = vector.broadcast %mul3A_444 : i32 to vector<16xi32>
        %mul3A_446 = arith.muli %sub3A_443, %mul3A_445 : vector<16xi32>
        %add3A_447 = arith.addi %mul3A_446, %get3A_432 : vector<16xi32>
        tpu.vector_store_idx %arg5[%add3A_447], %broadcast_in_dim3A_396 masked %and3A_441 {add = true} : memref<40064xf32, #tpu.memory_space<vmem>>[vector<16xi32>], vector<16xf32>, vector<16xi1>
      }
      %scan3A_422 = arith.constant 256 : i32
      %add3A_423 = arith.constant 4096 : i32
      %add3A_424 = arith.addi %multiple_of3A_416, %add3A_423 : i32
      %max3A = arith.maxsi %while3A_410, %add3A_424 : i32
      scf.yield %max3A : i32
    }
    %while3A_405 = arith.constant 1 : i32
    %while3A_406 = scf.for %while3A_409 = %while3A_402 to %while3A_398 step %while3A_405 iter_args(%while3A_410 = %while3A_404) -> (i32)  : i32 {
      %mul3A_411 = arith.constant 4096 : i32
      %mul3A_412 = arith.muli %while3A_409, %mul3A_411 : i32
      %add3A_413 = arith.addi %multiple_of3A_366, %mul3A_412 : i32
      %min3A_414 = arith.constant 315904 : i32
      %min3A_415 = arith.minsi %add3A_413, %min3A_414 : i32
      %multiple_of3A_416 = tpu.assume_multiple %min3A_415, 8 : i32
      "tpu.region"() ({
        %run_scoped3A = tpu.sem_alloc : memref<!tpu.dma_semaphore, #tpu.memory_space<semaphore_mem>>
        %dma_start3A_425 = tpu.memref_slice %arg2[%multiple_of3A_416] : memref<320000xi32, #tpu.memory_space<hbm>> -> memref<4096xi32, #tpu.memory_space<hbm>>
        %dma_start3A_426 = tpu.memref_slice %arg2[%multiple_of3A_416] : memref<320000xi32, #tpu.memory_space<hbm>> -> memref<4096xi32, #tpu.memory_space<hbm>>
        tpu.enqueue_dma source(%dma_start3A_426 : memref<4096xi32, #tpu.memory_space<hbm>>) target(%arg6 : memref<4096xi32, #tpu.memory_space<vmem>>) target_semaphore(%run_scoped3A : memref<!tpu.dma_semaphore, #tpu.memory_space<semaphore_mem>>)
        %dma_wait3A_427 = tpu.memref_slice %arg2[%multiple_of3A_416] : memref<320000xi32, #tpu.memory_space<hbm>> -> memref<4096xi32, #tpu.memory_space<hbm>>
        %dma_wait3A_428 = tpu.memref_slice %arg2[%multiple_of3A_416] : memref<320000xi32, #tpu.memory_space<hbm>> -> memref<4096xi32, #tpu.memory_space<hbm>>
        tpu.wait_dma2 semaphore(%run_scoped3A : memref<!tpu.dma_semaphore, #tpu.memory_space<semaphore_mem>>) src(%dma_wait3A_428 : memref<4096xi32, #tpu.memory_space<hbm>>) dst(%arg6 : memref<4096xi32, #tpu.memory_space<vmem>>)
        tpu.yield
      }) : () -> ()
      "tpu.region"() ({
        %run_scoped3A = tpu.sem_alloc : memref<!tpu.dma_semaphore, #tpu.memory_space<semaphore_mem>>
        %dma_start3A_425 = tpu.memref_slice %arg3[%multiple_of3A_416] : memref<320000xi32, #tpu.memory_space<hbm>> -> memref<4096xi32, #tpu.memory_space<hbm>>
        %dma_start3A_426 = tpu.memref_slice %arg3[%multiple_of3A_416] : memref<320000xi32, #tpu.memory_space<hbm>> -> memref<4096xi32, #tpu.memory_space<hbm>>
        tpu.enqueue_dma source(%dma_start3A_426 : memref<4096xi32, #tpu.memory_space<hbm>>) target(%arg7 : memref<4096xi32, #tpu.memory_space<vmem>>) target_semaphore(%run_scoped3A : memref<!tpu.dma_semaphore, #tpu.memory_space<semaphore_mem>>)
        %dma_wait3A_427 = tpu.memref_slice %arg3[%multiple_of3A_416] : memref<320000xi32, #tpu.memory_space<hbm>> -> memref<4096xi32, #tpu.memory_space<hbm>>
        %dma_wait3A_428 = tpu.memref_slice %arg3[%multiple_of3A_416] : memref<320000xi32, #tpu.memory_space<hbm>> -> memref<4096xi32, #tpu.memory_space<hbm>>
        tpu.wait_dma2 semaphore(%run_scoped3A : memref<!tpu.dma_semaphore, #tpu.memory_space<semaphore_mem>>) src(%dma_wait3A_428 : memref<4096xi32, #tpu.memory_space<hbm>>) dst(%arg7 : memref<4096xi32, #tpu.memory_space<vmem>>)
        tpu.yield
      }) : () -> ()
      %scan3A_417 = arith.constant 0 : i32
      %scan3A_418 = arith.constant 0 : i32
      %scan3A_419 = arith.constant 256 : i32
      %scan3A_420 = arith.addi %scan3A_418, %scan3A_419 : i32
      %scan3A_421 = arith.constant 1 : i32
      scf.for %scan3A_425 = %scan3A_418 to %scan3A_420 step %scan3A_421  : i32 {
        %mul3A_426 = arith.constant 16 : i32
        %mul3A_427 = arith.muli %scan3A_425, %mul3A_426 : i32
        %get3A = arith.index_cast %mul3A_427 : i32 to index
        %get3A_428 = tpu.vector_load %arg6[%get3A] {strides = array<i32>} : memref<4096xi32, #tpu.memory_space<vmem>>, vector<16xi32>,
        %mul3A_429 = arith.constant 16 : i32
        %mul3A_430 = arith.muli %scan3A_425, %mul3A_429 : i32
        %get3A_431 = arith.index_cast %mul3A_430 : i32 to index
        %get3A_432 = tpu.vector_load %arg7[%get3A_431] {strides = array<i32>} : memref<4096xi32, #tpu.memory_space<vmem>>, vector<16xi32>,
        %mul3A_433 = arith.constant 16 : i32
        %mul3A_434 = arith.muli %scan3A_425, %mul3A_433 : i32
        %add3A_435 = arith.addi %multiple_of3A_416, %mul3A_434 : i32
        %add3A_436 = vector.broadcast %add3A_435 : i32 to vector<16xi32>
        %add3A_437 = arith.addi %add3A_436, %iota3A : vector<16xi32>
        %ge3A_438 = vector.broadcast %while3A_410 : i32 to vector<16xi32>
        %ge3A_439 = arith.cmpi sge, %add3A_437, %ge3A_438 : vector<16xi32>
        %lt3A = vector.broadcast %add3A_339 : i32 to vector<16xi32>
        %lt3A_440 = arith.cmpi slt, %add3A_437, %lt3A : vector<16xi32>
        %and3A_441 = arith.andi %ge3A_439, %lt3A_440 : vector<16xi1>
        %sub3A_442 = vector.broadcast %mul3A_2 : i32 to vector<16xi32>
        %sub3A_443 = arith.subi %get3A_428, %sub3A_442 : vector<16xi32>
        %mul3A_444 = arith.constant 128 : i32
        %mul3A_445 = vector.broadcast %mul3A_444 : i32 to vector<16xi32>
        %mul3A_446 = arith.muli %sub3A_443, %mul3A_445 : vector<16xi32>
        %add3A_447 = arith.addi %mul3A_446, %get3A_432 : vector<16xi32>
        tpu.vector_store_idx %arg5[%add3A_447], %broadcast_in_dim3A_396 masked %and3A_441 {add = true} : memref<40064xf32, #tpu.memory_space<vmem>>[vector<16xi32>], vector<16xf32>, vector<16xi1>
      }
      %scan3A_422 = arith.constant 256 : i32
      %add3A_423 = arith.constant 4096 : i32
      %add3A_424 = arith.addi %multiple_of3A_416, %add3A_423 : i32
      %max3A = arith.maxsi %while3A_410, %add3A_424 : i32
      scf.yield %max3A : i32
    }
    %mul3A_407 = arith.constant 40064 : i32
    %mul3A_408 = arith.muli %add3A, %mul3A_407 : i32
    "tpu.region"() ({
      %run_scoped3A = tpu.sem_alloc : memref<!tpu.dma_semaphore, #tpu.memory_space<semaphore_mem>>
      %dma_start3A_409 = tpu.memref_slice %arg4[%mul3A_408] : memref<1282048xf32, #tpu.memory_space<hbm>> -> memref<40064xf32, #tpu.memory_space<hbm>>
      %dma_start3A_410 = tpu.memref_slice %arg4[%mul3A_408] : memref<1282048xf32, #tpu.memory_space<hbm>> -> memref<40064xf32, #tpu.memory_space<hbm>>
      tpu.enqueue_dma source(%arg5 : memref<40064xf32, #tpu.memory_space<vmem>>) target(%dma_start3A_410 : memref<40064xf32, #tpu.memory_space<hbm>>) target_semaphore(%run_scoped3A : memref<!tpu.dma_semaphore, #tpu.memory_space<semaphore_mem>>)
      %dma_wait3A_411 = tpu.memref_slice %arg4[%mul3A_408] : memref<1282048xf32, #tpu.memory_space<hbm>> -> memref<40064xf32, #tpu.memory_space<hbm>>
      %dma_wait3A_412 = tpu.memref_slice %arg4[%mul3A_408] : memref<1282048xf32, #tpu.memory_space<hbm>> -> memref<40064xf32, #tpu.memory_space<hbm>>
      tpu.wait_dma2 semaphore(%run_scoped3A : memref<!tpu.dma_semaphore, #tpu.memory_space<semaphore_mem>>) src(%arg5 : memref<40064xf32, #tpu.memory_space<vmem>>) dst(%dma_wait3A_412 : memref<40064xf32, #tpu.memory_space<hbm>>)
      tpu.yield
    }) : () -> ()
    return
  }
}

module attributes {stable_mosaic.version = 14 : i64} {
  func.func @_table_body(%arg0: memref<128x128xf32, #tpu.memory_space<vmem>>, %arg1: memref<128x640xf32, #tpu.memory_space<vmem>>, %arg2: memref<1x640xf32, #tpu.memory_space<vmem>>, %arg3: memref<128x640xf32, #tpu.memory_space<vmem>>, %arg4: memref<128x640xf32, #tpu.memory_space<vmem>>) attributes {dimension_semantics = [], scalar_prefetch = 0 : i64, scratch_operands = 0 : i64, tpu.core_type = #tpu.core_type<tc>} {
    %get3A = arith.constant 0 : index
    %get3A_0 = arith.constant 0 : index
    %get3A_1 = vector.load %arg0[%get3A, %get3A_0] : memref<128x128xf32, #tpu.memory_space<vmem>>, vector<128x128xf32>
    %max3A = arith.constant 0.000000e+00 : f32
    %max3A_2 = vector.broadcast %max3A : f32 to vector<128x128xf32>
    %max3A_3 = arith.maximumf %get3A_1, %max3A_2 : vector<128x128xf32>
    %get3A_4 = arith.constant 0 : index
    %get3A_5 = arith.constant 0 : index
    %get3A_6 = vector.load %arg1[%get3A_4, %get3A_5] : memref<128x640xf32, #tpu.memory_space<vmem>>, vector<128x640xf32>
    %dot_general3A = arith.constant dense<0.000000e+00> : vector<128x640xf32>
    %dot_general3A_7 = tpu.matmul %max3A_3, %get3A_6, %dot_general3A {dimension_numbers = #tpu.dot_dimension_numbers<[1], [0], [0], [1], [0, 0, 1, 1], [], []>, transpose_lhs_hint = false} : vector<128x128xf32>, vector<128x640xf32>, vector<128x640xf32> -> vector<128x640xf32>
    %get3A_8 = arith.constant 0 : index
    %get3A_9 = arith.constant 0 : index
    %get3A_10 = vector.load %arg2[%get3A_8, %get3A_9] : memref<1x640xf32, #tpu.memory_space<vmem>>, vector<1x640xf32>
    %add3A = vector.broadcast %get3A_10 : vector<1x640xf32> to vector<128x640xf32>
    %add3A_11 = arith.addf %dot_general3A_7, %add3A : vector<128x640xf32>
    %max3A_12 = arith.constant 0.000000e+00 : f32
    %max3A_13 = vector.broadcast %max3A_12 : f32 to vector<128x640xf32>
    %max3A_14 = arith.maximumf %add3A_11, %max3A_13 : vector<128x640xf32>
    %abs3A = math.absf %add3A_11 : vector<128x640xf32>
    %neg3A = arith.constant 0.000000e+00 : f32
    %neg3A_15 = vector.broadcast %neg3A : f32 to vector<128x640xf32>
    %neg3A_16 = arith.subf %neg3A_15, %abs3A : vector<128x640xf32>
    %exp3A = math.exp %neg3A_16 : vector<128x640xf32>
    %add3A_17 = arith.constant 1.000000e+00 : f32
    %add3A_18 = vector.broadcast %add3A_17 : f32 to vector<128x640xf32>
    %add3A_19 = arith.addf %add3A_18, %exp3A : vector<128x640xf32>
    %log3A = math.log %add3A_19 : vector<128x640xf32>
    %add3A_20 = arith.addf %max3A_14, %log3A : vector<128x640xf32>
    %sub3A = arith.constant 0.693147182 : f32
    %sub3A_21 = vector.broadcast %sub3A : f32 to vector<128x640xf32>
    %sub3A_22 = arith.subf %add3A_20, %sub3A_21 : vector<128x640xf32>
    %convert_element_type3A = arith.truncf %sub3A_22 : vector<128x640xf32> to vector<128x640xbf16>
    %convert_element_type3A_23 = arith.extf %convert_element_type3A : vector<128x640xbf16> to vector<128x640xf32>
    %swap3A = arith.constant 0 : index
    %swap3A_24 = arith.constant 0 : index
    %swap3A_25 = vector.load %arg3[%swap3A, %swap3A_24] : memref<128x640xf32, #tpu.memory_space<vmem>>, vector<128x640xf32>
    tpu.vector_store %arg3[%swap3A, %swap3A_24], %convert_element_type3A_23 {strides = array<i32>} : memref<128x640xf32, #tpu.memory_space<vmem>>, vector<128x640xf32>,
    %sub3A_26 = arith.subf %sub3A_22, %convert_element_type3A_23 : vector<128x640xf32>
    %swap3A_27 = arith.constant 0 : index
    %swap3A_28 = arith.constant 0 : index
    %swap3A_29 = vector.load %arg4[%swap3A_27, %swap3A_28] : memref<128x640xf32, #tpu.memory_space<vmem>>, vector<128x640xf32>
    tpu.vector_store %arg4[%swap3A_27, %swap3A_28], %sub3A_26 {strides = array<i32>} : memref<128x640xf32, #tpu.memory_space<vmem>>, vector<128x640xf32>,
    return
  }
}

module attributes {stable_mosaic.version = 14 : i64} {
  func.func @_readout_body(%arg0: i32, %arg1: memref<1000x128xf32, #tpu.memory_space<vmem>>, %arg2: memref<128x640xf32, #tpu.memory_space<vmem>>, %arg3: memref<128x640xf32, #tpu.memory_space<vmem>>, %arg4: memref<640x128xf32, #tpu.memory_space<vmem>>, %arg5: memref<1x128xf32, #tpu.memory_space<vmem>>, %arg6: memref<128x1xf32, #tpu.memory_space<vmem>>, %arg7: memref<1x1xf32, #tpu.memory_space<vmem>>, %arg8: memref<1000x1xf32, #tpu.memory_space<vmem>>) attributes {dimension_semantics = [#tpu.dimension_semantics<arbitrary>], iteration_bounds = array<i64: 10>, scalar_prefetch = 0 : i64, scratch_operands = 0 : i64, tpu.core_type = #tpu.core_type<tc>, window_params = [{transform_indices = @transform_0, window_bounds = array<i64: 1000, 128>}, {pipeline_mode = #tpu.pipeline_mode<synchronous>, transform_indices = @transform_1, window_bounds = array<i64: 128, 640>}, {pipeline_mode = #tpu.pipeline_mode<synchronous>, transform_indices = @transform_2, window_bounds = array<i64: 128, 640>}, {pipeline_mode = #tpu.pipeline_mode<synchronous>, transform_indices = @transform_3, window_bounds = array<i64: 640, 128>}, {pipeline_mode = #tpu.pipeline_mode<synchronous>, transform_indices = @transform_4, window_bounds = array<i64: 1, 128>}, {pipeline_mode = #tpu.pipeline_mode<synchronous>, transform_indices = @transform_5, window_bounds = array<i64: 128, 1>}, {pipeline_mode = #tpu.pipeline_mode<synchronous>, transform_indices = @transform_6, window_bounds = array<i64: 1, 1>}, {transform_indices = @transform_7, window_bounds = array<i64: 1000, 1>}]} {
    %get3A = arith.constant 0 : index
    %get3A_0 = arith.constant 0 : index
    %get3A_1 = vector.load %arg1[%get3A, %get3A_0] : memref<1000x128xf32, #tpu.memory_space<vmem>>, vector<1000x128xf32>
    %get3A_2 = arith.constant 0 : index
    %get3A_3 = arith.constant 0 : index
    %get3A_4 = vector.load %arg2[%get3A_2, %get3A_3] : memref<128x640xf32, #tpu.memory_space<vmem>>, vector<128x640xf32>
    %dot_general3A = arith.constant dense<0.000000e+00> : vector<1000x640xf32>
    %dot_general3A_5 = tpu.matmul %get3A_1, %get3A_4, %dot_general3A {dimension_numbers = #tpu.dot_dimension_numbers<[1], [0], [0], [1], [0, 0, 1, 1], [], []>, transpose_lhs_hint = false} : vector<1000x128xf32>, vector<128x640xf32>, vector<1000x640xf32> -> vector<1000x640xf32>
    %get3A_6 = arith.constant 0 : index
    %get3A_7 = arith.constant 0 : index
    %get3A_8 = vector.load %arg3[%get3A_6, %get3A_7] : memref<128x640xf32, #tpu.memory_space<vmem>>, vector<128x640xf32>
    %dot_general3A_9 = arith.constant dense<0.000000e+00> : vector<1000x640xf32>
    %dot_general3A_10 = tpu.matmul %get3A_1, %get3A_8, %dot_general3A_9 {dimension_numbers = #tpu.dot_dimension_numbers<[1], [0], [0], [1], [0, 0, 1, 1], [], []>, transpose_lhs_hint = false} : vector<1000x128xf32>, vector<128x640xf32>, vector<1000x640xf32> -> vector<1000x640xf32>
    %add3A = arith.addf %dot_general3A_5, %dot_general3A_10 : vector<1000x640xf32>
    %get3A_11 = arith.constant 0 : index
    %get3A_12 = arith.constant 0 : index
    %get3A_13 = vector.load %arg4[%get3A_11, %get3A_12] : memref<640x128xf32, #tpu.memory_space<vmem>>, vector<640x128xf32>
    %dot_general3A_14 = arith.constant dense<0.000000e+00> : vector<1000x128xf32>
    %dot_general3A_15 = tpu.matmul %add3A, %get3A_13, %dot_general3A_14 {dimension_numbers = #tpu.dot_dimension_numbers<[1], [0], [0], [1], [0, 0, 1, 1], [], []>, transpose_lhs_hint = false} : vector<1000x640xf32>, vector<640x128xf32>, vector<1000x128xf32> -> vector<1000x128xf32>
    %get3A_16 = arith.constant 0 : index
    %get3A_17 = arith.constant 0 : index
    %get3A_18 = vector.load %arg5[%get3A_16, %get3A_17] : memref<1x128xf32, #tpu.memory_space<vmem>>, vector<1x128xf32>
    %add3A_19 = vector.broadcast %get3A_18 : vector<1x128xf32> to vector<1000x128xf32>
    %add3A_20 = arith.addf %dot_general3A_15, %add3A_19 : vector<1000x128xf32>
    %max3A = arith.constant 0.000000e+00 : f32
    %max3A_21 = vector.broadcast %max3A : f32 to vector<1000x128xf32>
    %max3A_22 = arith.maximumf %add3A_20, %max3A_21 : vector<1000x128xf32>
    %abs3A = math.absf %add3A_20 : vector<1000x128xf32>
    %neg3A = arith.constant 0.000000e+00 : f32
    %neg3A_23 = vector.broadcast %neg3A : f32 to vector<1000x128xf32>
    %neg3A_24 = arith.subf %neg3A_23, %abs3A : vector<1000x128xf32>
    %exp3A = math.exp %neg3A_24 : vector<1000x128xf32>
    %add3A_25 = arith.constant 1.000000e+00 : f32
    %add3A_26 = vector.broadcast %add3A_25 : f32 to vector<1000x128xf32>
    %add3A_27 = arith.addf %add3A_26, %exp3A : vector<1000x128xf32>
    %log3A = math.log %add3A_27 : vector<1000x128xf32>
    %add3A_28 = arith.addf %max3A_22, %log3A : vector<1000x128xf32>
    %sub3A = arith.constant 0.693147182 : f32
    %sub3A_29 = vector.broadcast %sub3A : f32 to vector<1000x128xf32>
    %sub3A_30 = arith.subf %add3A_28, %sub3A_29 : vector<1000x128xf32>
    %get3A_31 = arith.constant 0 : index
    %get3A_32 = arith.constant 0 : index
    %get3A_33 = vector.load %arg6[%get3A_31, %get3A_32] : memref<128x1xf32, #tpu.memory_space<vmem>>, vector<128x1xf32>
    %dot_general3A_34 = arith.constant dense<0.000000e+00> : vector<1000x1xf32>
    %dot_general3A_35 = tpu.matmul %sub3A_30, %get3A_33, %dot_general3A_34 {dimension_numbers = #tpu.dot_dimension_numbers<[1], [0], [0], [1], [0, 0, 1, 1], [], []>, transpose_lhs_hint = false} : vector<1000x128xf32>, vector<128x1xf32>, vector<1000x1xf32> -> vector<1000x1xf32>
    %get3A_36 = arith.constant 0 : index
    %get3A_37 = arith.constant 0 : index
    %get3A_38 = vector.load %arg7[%get3A_36, %get3A_37] : memref<1x1xf32, #tpu.memory_space<vmem>>, vector<1x1xf32>
    %add3A_39 = vector.broadcast %get3A_38 : vector<1x1xf32> to vector<1000x1xf32>
    %add3A_40 = arith.addf %dot_general3A_35, %add3A_39 : vector<1000x1xf32>
    %swap3A = arith.constant 0 : index
    %swap3A_41 = arith.constant 0 : index
    %swap3A_42 = vector.load %arg8[%swap3A, %swap3A_41] : memref<1000x1xf32, #tpu.memory_space<vmem>>, vector<1000x1xf32>
    tpu.vector_store %arg8[%swap3A, %swap3A_41], %add3A_40 {strides = array<i32>} : memref<1000x1xf32, #tpu.memory_space<vmem>>, vector<1000x1xf32>,
    return
  }
  func.func @transform_0(%arg0: i32) -> (i32, i32) {
    %c0_i32 = arith.constant 0 : i32
    %c0_i32_0 = arith.constant 0 : i32
    return %arg0, %c0_i32 : i32, i32
  }
  func.func @transform_1(%arg0: i32) -> (i32, i32) {
    %c0_i32 = arith.constant 0 : i32
    %c0_i32_0 = arith.constant 0 : i32
    %c0_i32_1 = arith.constant 0 : i32
    return %c0_i32, %c0_i32_0 : i32, i32
  }
  func.func @transform_2(%arg0: i32) -> (i32, i32) {
    %c0_i32 = arith.constant 0 : i32
    %c0_i32_0 = arith.constant 0 : i32
    %c0_i32_1 = arith.constant 0 : i32
    return %c0_i32, %c0_i32_0 : i32, i32
  }
  func.func @transform_3(%arg0: i32) -> (i32, i32) {
    %c0_i32 = arith.constant 0 : i32
    %c0_i32_0 = arith.constant 0 : i32
    %c0_i32_1 = arith.constant 0 : i32
    return %c0_i32, %c0_i32_0 : i32, i32
  }
  func.func @transform_4(%arg0: i32) -> (i32, i32) {
    %c0_i32 = arith.constant 0 : i32
    %c0_i32_0 = arith.constant 0 : i32
    %c0_i32_1 = arith.constant 0 : i32
    return %c0_i32, %c0_i32_0 : i32, i32
  }
  func.func @transform_5(%arg0: i32) -> (i32, i32) {
    %c0_i32 = arith.constant 0 : i32
    %c0_i32_0 = arith.constant 0 : i32
    %c0_i32_1 = arith.constant 0 : i32
    return %c0_i32, %c0_i32_0 : i32, i32
  }
  func.func @transform_6(%arg0: i32) -> (i32, i32) {
    %c0_i32 = arith.constant 0 : i32
    %c0_i32_0 = arith.constant 0 : i32
    %c0_i32_1 = arith.constant 0 : i32
    return %c0_i32, %c0_i32_0 : i32, i32
  }
  func.func @transform_7(%arg0: i32) -> (i32, i32) {
    %c0_i32 = arith.constant 0 : i32
    %c0_i32_0 = arith.constant 0 : i32
    return %arg0, %c0_i32 : i32, i32
  }
}

</mosaic_0001>

<sc_bundles>
// kernel: kernel.5.cloned.1.call-start
scs
__scs_entry_jumppad:
0x0: {  	(pc) =	sbr.rel $0x88, $3  }
0x1: {  	(tag) =	ssettag $0x0;
	lr =	simm.s32 $0x1  }
0x2: {  	[smem:$0x3F98] =	sst lr;
	_ =	strace $0xD0000000  }
0x3: {  	_ = 	snop  }
0x4: {  	_ = 	snop  }
0x5: {  	_ = 	snop  }
0x6: {  	_ = 	snop  }
0x7: {  	_ = 	snop  }
__scs_overlays_trampoline_lowered:
0x8: {  	[smem:$0x3FA7] =	sst s0  }
0x9: {  	[smem:$0x3FA8] =	sst s1  }
0xa: {  	[smem:$0x3FA9] =	sst s2  }
0xb: {  	[smem:$0x3FAA] =	sst s3  }
0xc: {  	[smem:$0x3FAB] =	sst s4  }
0xd: {  	[smem:$0x3FAC] =	sst s5  }
0xe: {  	[smem:$0x3FAD] =	sst s6  }
0xf: {  	[smem:$0x3FAE] =	sst s7  }
0x10: {  	[smem:$0x3FAF] =	sst s8  }
0x11: {  	[smem:$0x3FB0] =	sst s9;
	s0 =	simm.s32 @!p0 $0x0  }
0x12: {  	s1 =	sld [smem:$0x3F96];
	s0 =	simm.s32 @p0 $0x1  }
0x13: {  	[smem:$0x3FB1] =	sst s0;
	s0 =	simm.s32 @!p1 $0x0  }
0x14: {  	s2 =	sld [smem:$0x3F95];
	s0 =	simm.s32 @p1 $0x1  }
0x15: {  	[smem:$0x3FB2] =	sst s0;
	s0 =	simm.s32 @!p2 $0x0  }
0x16: {  	s3 =	sld [smem:$0x3FDB];
	s0 =	simm.s32 @p2 $0x1  }
0x17: {  	s4 =	simm.s32 $0x1BF5;
	[smem:$0x3FB4] =	sst s0  }
0x18: {  	s0 =	sld [smem:$0x3F97];
	_ =	swait.ge [sflag:s4], $0x0  }
0x19: {  	s7 =	sld [smem:$0x3F98]  }
0x1a: {  	s8 =	sadd.s32 $0xFFFFE003, lr  }
0x1b: {  	s9 =	sadd.s32 $0xFFFFFEF7, lr;
	s5 =	simm.s32 $0xFFFFFFFF;
	p2 =	slt.u32 s8, $0xFFFFF086  }
0x1c: {  	p1 =	slt.u32 s9, $0xF7A;
	s5 =	simm.s32 @!p2 $0x0  }
0x1d: {  	s5 =	simm.s32 @p1 $0x1;
	p0 =	seq.s32 s7, s2  }
0x1e: {  	s7 =	smul.u32 @!p0 $0xF7A, s2;
	p2 =	seq.s32 @!p0 s5, $0x0  }
0x1f: {  	s9 =	smul.u32 $0xF7A, s1;
	s8 =	simm.s32 @!p0 $0x1BF5;
	p2 =	por !p2, p0  }
0x20: {  	[sflag:s8] =	ssyncset.s32 @!p0 $0xFFFFF086;
	s6 =	sadd.s32 @!p0 s3, s7;
	s7 =	simm.s32 @!p0 $0x108  }
0x21: {  	s3 =	sadd.s32 s3, s9;
	s6 =	sadd.s32 @!p0 $0x88, s6;
	s7 =	simm.s32 @p2 $0x1082  }
0x22: {  	[simem:s7], [sflag:s8] =	dma.local @!p0 [hbm:s6], $0xF7A  }
0x23: {  	s9 =	sor.u32 $0xD0000000, s2;
	s6 =	simm.s32 $0x108;
	_ =	swait.ge @!p0 [sflag:s8], $0x0  }
0x24: {  	s3 =	sadd.s32 $0x88, s3;
	s6 =	simm.s32 @!p1 $0x1082;
	[sflag:s4] =	ssyncset.s32 $0xFFFFF086  }
0x25: {  	[simem:s6], [sflag:s4] =	dma.local [hbm:s3], $0xF7A  }
0x26: {  	[smem:$0x3F98] =	sst s1;
	(tag) =	ssettag s2;
	_ =	strace s9  }
0x27: {  	s1 =	sld [smem:$0x3FA8]  }
0x28: {  	s2 =	sld [smem:$0x3FA9]  }
0x29: {  	s4 =	sld [smem:$0x3FAB]  }
0x2a: {  	p0 =	seq.s32 s5, $0x0;
	s5 =	sld [smem:$0x3FAC]  }
0x2b: {  	s6 =	sld [smem:$0x3FAD]  }
0x2c: {  	s7 =	sld [smem:$0x3FAE]  }
0x2d: {  	s3 =	simm.s32 $0x108;
	s8 =	sld [smem:$0x3FAF]  }
0x2e: {  	s3 =	simm.s32 @!p0 $0x1082;
	s9 =	sld [smem:$0x3FB0]  }
0x2f: {  	lr =	sadd.s32 s0, s3;
	s0 =	sld [smem:$0x3FA7]  }
0x30: {  	s3 =	sld [smem:$0x3FAA]  }
0x31: {  	[smem:$0x3FB3] =	sst s10  }
0x32: {  	s10 =	sld [smem:$0x3FB1];
	_ =	sdelay $0x3  }
0x33: {  	p0 =	seq.s32 s10, $0x1;
	s10 =	sld [smem:$0x3FB3];
	_ =	sdelay $0x3  }
0x34: {  	[smem:$0x3FB3] =	sst s10  }
0x35: {  	s10 =	sld [smem:$0x3FB2];
	_ =	sdelay $0x3  }
0x36: {  	p1 =	seq.s32 s10, $0x1;
	s10 =	sld [smem:$0x3FB3];
	_ =	sdelay $0x3  }
0x37: {  	[smem:$0x3FB3] =	sst s10  }
0x38: {  	s10 =	sld [smem:$0x3FB4]  }
0x39: {  	_ = 	snop;
	(pc) =	sbr.ind lr, $3  }
0x3a: {  	_ = 	snop  }
0x3b: {  	_ = 	snop  }
0x3c: {  	p2 =	seq.s32 s10, $0x1;
	s10 =	sld [smem:$0x3FB3]  }
0x3d: {  	_ =	shalt  }
0x3e: {  	_ =	shalt  }
0x3f: {  	_ =	shalt  }
0x40: {  	_ =	shalt  }
0x41: {  	_ =	shalt  }
0x42: {  	_ =	shalt  }
0x43: {  	_ =	shalt  }
0x44: {  	_ =	shalt  }
0x45: {  	_ =	shalt  }
0x46: {  	_ =	shalt  }
0x47: {  	_ =	shalt  }
0x48: {  	_ =	shalt  }
0x49: {  	_ =	shalt  }
0x4a: {  	_ =	shalt  }
0x4b: {  	_ =	shalt  }
0x4c: {  	_ =	shalt  }
0x4d: {  	_ =	shalt  }
0x4e: {  	_ =	shalt  }
0x4f: {  	_ =	shalt  }
0x50: {  	_ =	shalt  }
0x51: {  	_ =	shalt  }
0x52: {  	_ =	shalt  }
0x53: {  	_ =	shalt  }
0x54: {  	_ =	shalt  }
0x55: {  	_ =	shalt  }
0x56: {  	_ =	shalt  }
0x57: {  	_ =	shalt  }
0x58: {  	_ =	shalt  }
0x59: {  	_ =	shalt  }
0x5a: {  	_ =	shalt  }
0x5b: {  	_ =	shalt  }
0x5c: {  	_ =	shalt  }
0x5d: {  	_ =	shalt  }
0x5e: {  	_ =	shalt  }
0x5f: {  	_ =	shalt  }
0x60: {  	_ =	shalt  }
0x61: {  	_ =	shalt  }
0x62: {  	_ =	shalt  }
0x63: {  	_ =	shalt  }
0x64: {  	_ =	shalt  }
0x65: {  	_ =	shalt  }
0x66: {  	_ =	shalt  }
0x67: {  	_ =	shalt  }
0x68: {  	_ =	shalt  }
0x69: {  	_ =	shalt  }
0x6a: {  	_ =	shalt  }
0x6b: {  	_ =	shalt  }
0x6c: {  	_ =	shalt  }
0x6d: {  	_ =	shalt  }
0x6e: {  	_ =	shalt  }
0x6f: {  	_ =	shalt  }
0x70: {  	_ =	shalt  }
0x71: {  	_ =	shalt  }
0x72: {  	_ =	shalt  }
0x73: {  	_ =	shalt  }
0x74: {  	_ =	shalt  }
0x75: {  	_ =	shalt  }
0x76: {  	_ =	shalt  }
0x77: {  	_ =	shalt  }
0x78: {  	_ =	shalt  }
0x79: {  	_ =	shalt  }
0x7a: {  	_ =	shalt  }
0x7b: {  	_ =	shalt  }
0x7c: {  	_ =	shalt  }
0x7d: {  	_ =	shalt  }
0x7e: {  	_ =	shalt  }
0x7f: {  	_ =	shalt  }
0x80: {  	_ =	shalt  }
0x81: {  	_ =	shalt  }
0x82: {  	_ =	shalt  }
0x83: {  	_ =	shalt  }
0x84: {  	_ =	shalt  }
0x85: {  	_ =	shalt  }
0x86: {  	_ =	shalt  }
0x87: {  	_ =	shalt  }
.Lfunc_end0:
.L_simem_size_0:
called_computation_lowered:
.L_overlay_start_0:
0x88: {  	s2 =	sld [smem:$0x3FD9]  }
0x89: {  	s3 =	sld [smem:$0x3FFE];
	_ =	sdelay $0x1  }
0x8a: {  	s1 =	srdreg.scid  }
0x8b: {  	s0 =	sand.u32 $0x1, s1  }
0x8c: {  	s17 =	sshll.u32 s0, $0xA;
	s2 =	sadd.s32 s3, s2  }
0x8d: {  	s2 =	sadd.s32 s2, s17  }
0x8e: {  	[smem:$0x3FBF] =	sst s2  }
0x8f: {  	_ = 	snop  }
0x90: {  	s2 =	sld [smem:$0x3FC9]  }
0x91: {  	s18 =	sld [smem:$0x3FC8];
	(tm) =	ssettm $0x1  }
0x92: {  	s4 =	sld [smem:$0x3FFB];
	_ =	sdelay $0x3  }
0x93: {  	_ =	strace s4  }
0x94: {  	s4 =	sld [smem:$0x3FFC];
	_ =	sdelay $0x3  }
0x95: {  	_ =	strace s4  }
0x96: {  	s4 =	sld [smem:$0x3FFD];
	_ =	sdelay $0x3  }
0x97: {  	_ =	strace s4  }
0x98: {  	_ =	strace $0x8FFFFFFF  }
0x99: {  	s19 =	sld [smem:$0x3FDB];
	_ =	sdelay $0x1  }
0x9a: {  	s5 =	simm.s32 $_scs_section_size  }
0x9b: {  	s6 =	simm.s32 $_size__tile_overlayer_lowered;
	s7 =	simm.s32 $_tile_overlayer_lowered  }
0x9c: {  	s22 =	simm.s32 $0x1BFF;
	s21 =	sshll.u32 s7, $0x1;
	s4 =	sadd.s32 s5, s19  }
0x9d: {  	s8 =	simm.s32 $0x0;
	s20 =	sshll.u32 s6, $0x1;
	s6 =	sadd.s32 s21, s4  }
0x9e: {  	[timem:s8], [sflag:s22] =	dma.local [hbm:s6], s20  }
0x9f: {  	_ =	swait.ge [sflag:s22], s20  }
0xa0: {  	s5 =	ssub.s32 $0x0, s20;
	[sflag:s22] =	ssyncset.done $0x0  }
0xa1: {  	[sflag:s22] =	ssyncadd.s32 s5;
	_ =	sdelay $0x1  }
0xa2: {  	s23 =	simm.s32 $0x1B8B  }
0xa3: {  	_ =	swait.ge [sflag:s23], $0x1  }
0xa4: {  	[sflag:s23] =	ssyncset.done $0x0  }
0xa5: {  	s25 =	simm.s32 $0x1B8E;
	s24 =	sld [smem:$0x3FFE];
	[sflag:s23] =	ssyncadd.s32 $0xFFFFFFFF  }
0xa6: {  	s26 =	simm.s32 $execute0_lowered;
	[smem:$0x3FD2] =	sst s25  }
0xa7: {  	s6 =	sshll.u32 s26, $0x1;
	_ =	strace $0x80000046;
	[dreg:$0x1] =	wrdreg $0xFFFFFFFF  }
0xa8: {  	s28 =	simm.s32 $_size_execute0_lowered;
	s4 =	sadd.s32 s4, s6;
	[dreg:$0x0] =	wrdreg $0x0  }
0xa9: {  	s6 =	sshll.u32 s28, $0x1;
	[dreg:$0x2] =	wrdreg s4  }
0xaa: {  	[dreg:$0x3] =	wrdreg s6  }
0xab: {  	[dreg:$0x4] =	wrdreg $0xC0  }
0xac: {  	_ =	task [dreg:s8], $0x5FFFF  }
0xad: {  	[dreg:$0x1] =	wrdreg $0xFFFFFFFF  }
0xae: {  	[dreg:$0x0] =	wrdreg $0x60  }
0xaf: {  	[dreg:$0x2] =	wrdreg s18  }
0xb0: {  	[dreg:$0x3] =	wrdreg s2  }
0xb1: {  	[dreg:$0x4] =	wrdreg s24  }
0xb2: {  	[dreg:$0x5] =	wrdreg $0x9  }
0xb3: {  	_ =	task.clear_ibuf [dreg:s8], $0x6FFFF;
	_ =	strace $0x90000046  }
0xb4: {  	s29 =	simm.s32 $0x9;
	_ =	strace $0x80000048  }
0xb5: {  	_ =	swait.ge [sflag:s29], $0x1  }
0xb6: {  	[sflag:s29] =	ssyncadd.s32 $0xFFFFFFFF  }
0xb7: {  	_ =	strace $0x90000048  }
0xb8: {  	_ =	sfence  }
0xb9: {  	s30 =	sld [smem:$0x0];
	_ =	sdelay $0x2  }
0xba: {  	s31 =	sshll.u32 s1, $0xD;
	s1 =	sshrl.u32 s1, $0x2  }
0xbb: {  	s3 =	sand.u32 $0x4000, s31;
	s1 =	sadd.s32 s1, s30  }
0xbc: {  	s0 =	sor.u32 s3, s0;
	s1 =	sshll.u32 s1, $0x11  }
0xbd: {  	s0 =	sor.u32 s1, s0  }
0xbe: {  	s0 =	sadd.s32 $0x8F2B, s0  }
0xbf: {  	[sflag:s0] =	ssyncadd.remote.s32 $0x1  }
0xc0: {  	_ =	sfence.sel $0xFFFF  }
0xc1: {  	[dreg:$0x0] =	wrdreg $0xFFFFFFFF;
	(pc) =	sbr.abs _section_cstart, $3  }
0xc2: {  	[dreg:$0x1] =	wrdreg $0xFFFFFFFF  }
0xc3: {  	_ =	task.clear_ibuf [dreg:s8], $0x2FFFF;
	_ =	strace $0x9FFFFFFF  }
0xc4: {  	(tm) =	ssettm $0x7FFFFFFF  }
0xc5: {  	_ =	shalt  }
tec
execute0_lowered:
.L_overlay_start_1:
0x0: {  	(tag) =	ssettag $0x1  }
0x1: {  	s1 =	rddreg [dreg:$0x0]  }
0x2: {  	s0 =	srdreg.scid;
	s3 =	rddreg [dreg:$0x1]  }
0x3: {  	s2 =	stileid.u32;
	s5 =	rddreg [dreg:$0x2];
	s4 =	simm.s32 $0x0  }
0x4: {  	s7 =	simm.s32 $0x80;
	s19 =	simm.s32 $0xC300;
	s20 =	simm.s32 $0xBF80  }
0x5: {  	vm0 =	vcmask $0xF0C;
	vm1 =	vcmask $0x704;
	s21 =	simm.s32 $0xC380;
	s0 =	sand.u32 $0x1, s0;
	s2 =	sshll.u32 s2, $0x1  }
0x6: {  	s22 =	simm.s32 $0xC000;
	s23 =	simm.s32 $0xC400;
	vm0 =	vmor vm1, vm0;
	vm1 =	vcmask $0x1714;
	s2 =	sor.u32 s0, s2  }
0x7: {  	v2 =	vimm.f32 $0.0e+00;
	s24 =	simm.s32 $0x1;
	s25 =	simm.s32 $0xC480;
	vm0 =	vmor vm0, vm1;
	vm1 =	vcmask $0x1F1C;
	s6 =	smul.u32 $0x1390, s2  }
.Ltmp0:
0x8: {  	v3 =	vlaneseq.u32;
	s26 =	simm.s32 $0x2;
	s28 =	simm.s32 $0x9C80;
	vm0 =	vmor vm0, vm1;
	vm1 =	vcmask $0x2724;
	(pc) =	sbr.rel .LBB2_1-.Ltmp0, $4  }
0x9: {  	v5 =	vimm.s32 $0x0;
	s29 =	simm.s32 $0xAC80;
	s0 =	ssub.s32 $0x2, s0;
	s2 =	smul.u32 $0x139, s2;
	vm0 =	vmor vm0, vm1;
	vm1 =	vcmask $0x2F2C  }
0xa: {  	v6 =	vimm.f32 $1.000000000e+00;
	s30 =	simm.s32 $0x0;
	[smem:$0x7FF] =	sst s4;
	s31 =	sshrl.u32 s0, $0x1;
	vm0 =	vmor vm0, vm1;
	vm1 =	vcmask $0x3734  }
0xb: {  	v4 =	vmul.u32 $0x4E200, v3;
	s0 =	ssub.s32 s0, s31;
	s5 =	sadd.s32 s6, s5;
	s8 =	sadd.s32 $0x139, s2;
	vm0 =	vmor vm0, vm1;
	vm1 =	vcmask $0x3F3C  }
0xc: {  	_ =	strace $0x80000047;
	s6 =	smax.u32 s0, $0x1;
	v0 =	vmov s2;
	s5 =	sadd.s32 $0x1400, s5;
	v1 =	vmov s8;
	vm0 =	vmor vm0, vm1  }
.LBB2_16:
0xd: {  	s30 =	sadd.s32 $0x1, s30  }
0xe: {  	p0 =	sne.s32 s30, s6  }
.Ltmp1:
0xf: {  	_ = 	snop;
	(pc) =	sbr.rel @!p0 .LBB2_17-.Ltmp1, $4  }
0x10: {  	[hbm4b:s5+s4] =	stream.linear.scatter [tilespmem:s4], [sflag:$0x2], $0x9C80, $0x38;
	[tilespmem:$0xC600] =	vst v63  }
0x11: {  	_ =	swait.ge [sflag:s26], $0x9C80  }
0x12: {  	[sflag:s26] =	ssyncset.done $0x0  }
0x13: {  	[sflag:s26] =	ssyncadd.s32 $0xFFFF6380  }
.LBB2_1:
0x14: {  	s0 =	simm.s32 $0x0  }
.LBB2_2:
0x15: {  	p0 =	sne.s32 s0, $0x271C0  }
.Ltmp2:
0x16: {  	_ = 	snop;
	(pc) =	sbr.rel @p0 .LBB2_2-.Ltmp2, $3  }
0x17: {  	_ =	sdelay $0x1  }
0x18: {  	s2 =	sshra.s32 s0, $0x2  }
0x19: {  	s0 =	sadd.s32 $0x40, s0;
	[tilespmem:s2+$0x0] =	vst v2  }
0x1a: {  	s0 =	simm.s32 $0x0  }
0x1b: {  	v7 =	vmov s0  }
0x1c: {  	v7 =	vmul.u32 $0x4E200, v7;
	_ =	sdelay $0x1  }
0x1d: {  	v7 =	vbroadcast v7, $0x0;
	_ =	sdelay $0x1  }
0x1e: {  	s8 =	simm.s32 $0x40;
	s9 =	simm.s32 $0x10;
	s2 =	simm.s32 $0x0;
	v7 =	vadd.s32 v4, v7  }
.LBB2_4:
0x1f: {  	v8 =	vmov s9;
	p0 =	sne.s32 s8, $0xFC0;
	vm1 =	vlt.s32 v7, $0x1;
	s10 =	smov.u32 s8;
	s8 =	sadd.s32 $0x40, s8  }
.Ltmp3:
0x20: {  	s11 =	sand.u32 $0xE00, s0;
	v8 =	vmul.u32 $0x4E200, v8;
	vm1 =	vmand vm1, vm0;
	s0 =	smov.u32 s10;
	(pc) =	sbr.rel @p0 .LBB2_4-.Ltmp3, $4  }
0x21: {  	v7 =	vshrl.u32 v7, $0xA;
	s10 =	sand.u32 $0x70, s2;
	s11 =	sshrl.u32 s11, $0x2;
	s2 =	smov.u32 s9;
	v9 =	vsel vm1, $0xFFFFFFFF, v5  }
0x22: {  	s10 =	sor.u32 s10, s11;
	v8 =	vbroadcast v8, $0x0;
	v7 =	vadd.s32 v9, v7  }
0x23: {  	[tilespmem:s10+$0xBC80] =	vst v7  }
0x24: {  	s9 =	sadd.s32 $0x10, s9;
	v7 =	vadd.s32 v4, v8  }
0x25: {  	vm1 =	vlt.s32 v7, $0x1  }
0x26: {  	s0 =	sand.u32 $0xE00, s0;
	vm1 =	vmand vm1, vm0  }
0x27: {  	v7 =	vshrl.u32 v7, $0xA;
	s2 =	sand.u32 $0x70, s2;
	s0 =	sshrl.u32 s0, $0x2;
	v8 =	vsel vm1, $0xFFFFFFFF, v5  }
0x28: {  	s0 =	sor.u32 s2, s0;
	v7 =	vadd.s32 v8, v7  }
0x29: {  	s16 =	simm.s32 $0xBC80;
	s17 =	simm.s32 $0xC080;
	[tilespmem:s0+$0xBC80] =	vst v7  }
0x2a: {  	[tilespmem:s17], [sflag:$0x1] =	stream.indirect.gather [hbm4b:s1+s7], $0x1, s16, s7, $0xb8;
	[tilespmem:$0xC600] =	vst v63  }
0x2b: {  	s18 =	simm.s32 $0xBD00;
	s31 =	simm.s32 $0xC100  }
0x2c: {  	[tilespmem:s31], [sflag:$0x1] =	stream.indirect.gather [hbm4b:s1+s7], $0x1, s18, s7, $0xb8;
	[tilespmem:$0xC600] =	vst v63  }
0x2d: {  	s8 =	simm.s32 $0xBD80;
	s9 =	simm.s32 $0xC180  }
0x2e: {  	[tilespmem:s9], [sflag:$0x1] =	stream.indirect.gather [hbm4b:s1+s7], $0x1, s8, s7, $0xb8;
	[tilespmem:$0xC600] =	vst v63  }
0x2f: {  	s10 =	simm.s32 $0xBE00;
	s11 =	simm.s32 $0xC200  }
0x30: {  	[tilespmem:s11], [sflag:$0x1] =	stream.indirect.gather [hbm4b:s1+s7], $0x1, s10, s7, $0xb8;
	[tilespmem:$0xC600] =	vst v63  }
0x31: {  	s12 =	simm.s32 $0xBE80;
	s13 =	simm.s32 $0xC280  }
0x32: {  	[tilespmem:s13], [sflag:$0x1] =	stream.indirect.gather [hbm4b:s1+s7], $0x1, s12, s7, $0xb8;
	[tilespmem:$0xC600] =	vst v63  }
0x33: {  	s14 =	simm.s32 $0xBF00  }
0x34: {  	[tilespmem:s19], [sflag:$0x1] =	stream.indirect.gather [hbm4b:s1+s7], $0x1, s14, s7, $0xb8;
	[tilespmem:$0xC600] =	vst v63  }
0x35: {  	_ = 	snop  }
0x36: {  	[tilespmem:s21], [sflag:$0x1] =	stream.indirect.gather [hbm4b:s1+s7], $0x1, s20, s7, $0xb8;
	[tilespmem:$0xC600] =	vst v63  }
0x37: {  	_ = 	snop  }
0x38: {  	[tilespmem:s23], [sflag:$0x1] =	stream.indirect.gather [hbm4b:s1+s7], $0x1, s22, s7, $0xb8;
	[tilespmem:$0xC600] =	vst v63  }
0x39: {  	_ =	swait.ge [sflag:s24], $0x80  }
0x3a: {  	[sflag:s24] =	ssyncset.done $0x0  }
0x3b: {  	[sflag:s24] =	ssyncadd.s32 $0xFFFFFF80  }
0x3c: {  	_ =	swait.ge [sflag:s24], $0x80  }
0x3d: {  	[sflag:s24] =	ssyncset.done $0x0  }
0x3e: {  	[sflag:s24] =	ssyncadd.s32 $0xFFFFFF80  }
0x3f: {  	_ =	swait.ge [sflag:s24], $0x80  }
0x40: {  	[sflag:s24] =	ssyncset.done $0x0  }
0x41: {  	[sflag:s24] =	ssyncadd.s32 $0xFFFFFF80  }
0x42: {  	_ =	swait.ge [sflag:s24], $0x80  }
0x43: {  	[sflag:s24] =	ssyncset.done $0x0  }
0x44: {  	[sflag:s24] =	ssyncadd.s32 $0xFFFFFF80  }
0x45: {  	_ =	swait.ge [sflag:s24], $0x80  }
0x46: {  	[sflag:s24] =	ssyncset.done $0x0  }
0x47: {  	[sflag:s24] =	ssyncadd.s32 $0xFFFFFF80  }
0x48: {  	_ =	swait.ge [sflag:s24], $0x80  }
0x49: {  	[sflag:s24] =	ssyncset.done $0x0  }
0x4a: {  	[sflag:s24] =	ssyncadd.s32 $0xFFFFFF80  }
0x4b: {  	_ =	swait.ge [sflag:s24], $0x80  }
0x4c: {  	[sflag:s24] =	ssyncset.done $0x0  }
0x4d: {  	[sflag:s24] =	ssyncadd.s32 $0xFFFFFF80  }
0x4e: {  	_ =	swait.ge [sflag:s24], $0x80  }
0x4f: {  	[sflag:s24] =	ssyncset.done $0x0  }
0x50: {  	s15 =	simm.s32 $0x0;
	[sflag:s24] =	ssyncadd.s32 $0xFFFFFF80  }
0x51: {  	v7 =	vld [tilespmem:s15+$0xC080]  }
0x52: {  	s16 =	simm.s32 $0x10  }
0x53: {  	v8 =	vld [tilespmem:s16+$0xC080]  }
0x54: {  	s17 =	simm.s32 $0x20  }
0x55: {  	v9 =	vld [tilespmem:s17+$0xC080]  }
0x56: {  	vm1 =	vlt.s32 v7, v1  }
0x57: {  	vm2 =	vlt.s32 v7, v0;
	v7 =	vsel vm1, $0x1, v5  }
0x58: {  	vm1 =	vlt.s32 v8, v1;
	(xrf0) =	vadd.scan.msk.s32 $0xffff, v7;
	v7 =	vsel vm2, $0x1, v5  }
0x59: {  	vm2 =	vlt.s32 v8, v0;
	(xrf0) =	vadd.scan.msk.s32 $0xffff, v7;
	v7 =	vsel vm1, $0x1, v5  }
0x5a: {  	v8 =	vsel vm2, $0x1, v5;
	vm1 =	vlt.s32 v9, v1;
	(xrf0) =	vadd.scan.msk.s32 $0xffff, v7  }
0x5b: {  	vm2 =	vlt.s32 v9, v0;
	v7 =	vsel vm1, $0x1, v5;
	(xrf0) =	vadd.scan.msk.s32 $0xffff, v8  }
0x5c: {  	s18 =	simm.s32 $0x30;
	v9 =	vsel vm2, $0x1, v5;
	(xrf0) =	vadd.scan.msk.s32 $0xffff, v7  }
0x5d: {  	v8 =	vld [tilespmem:s18+$0xC080];
	(xrf0) =	vadd.scan.msk.s32 $0xffff, v9  }
0x5e: {  	v7, _, _ =	vpop (xrf0)  }
0x5f: {  	v61, _, _ =	vpop (xrf0);
	(v2sf) =	vpush v7, $0xF  }
0x60: {  	v7, _, _ =	vpop (xrf0);
	(v2sf) =	vpush v61, $0xF  }
0x61: {  	v62, _, _ =	vpop (xrf0);
	(v2sf) =	vpush v7, $0xF  }
0x62: {  	vm1 =	vlt.s32 v8, v1;
	vm2 =	vlt.s32 v8, v0;
	(v2sf) =	vpush v62, $0xF;
	v8, _, _ =	vpop (xrf0)  }
0x63: {  	v10, _, _ =	vpop (xrf0);
	(v2sf) =	vpush v8, $0xF  }
0x64: {  	(v2sf) =	vpush v10, $0xF;
	_ =	sdelay $0x4  }
0x65: {  	s31 =	simm.s32 $0x40;
	v7 =	vsel vm1, $0x1, v5  }
0x66: {  	(xrf0) =	vadd.scan.msk.s32 $0xffff, v7;
	v7 =	vld [tilespmem:s31+$0xC080]  }
0x67: {  	v63 =	vsel vm2, $0x1, v5  }
0x68: {  	(xrf0) =	vadd.scan.msk.s32 $0xffff, v63  }
0x69: {  	s2 =	simm.s32 $0x0;
	s0 =	simm.s32 $0x0;
	s8 =	simm.s32 $0x140  }
.LBB2_6:
0x6a: {  	s9 =	sshra.s32 s8, $0x2;
	p0 =	sne.s32 s8, $0xFC0  }
.Ltmp4:
0x6b: {  	s8 =	sadd.s32 $0x40, s8;
	vm1 =	vlt.s32 v7, v0;
	vm2 =	vlt.s32 v7, v1;
	s10 =	spop (v2sf);
	(pc) =	sbr.rel @p0 .LBB2_6-.Ltmp4, $4  }
0x6c: {  	v7 =	vld [tilespmem:s9+$0xC080];
	v11 =	vsel vm1, $0x1, v5;
	v10 =	vsel vm2, $0x1, v5;
	s0 =	sadd.s32 s0, s10;
	s9 =	spop (v2sf)  }
0x6d: {  	(xrf0) =	vadd.scan.msk.s32 $0xffff, v10;
	v9, _, _ =	vpop (xrf0);
	s2 =	sadd.s32 s2, s9  }
0x6e: {  	(xrf0) =	vadd.scan.msk.s32 $0xffff, v11;
	v8, _, _ =	vpop (xrf0);
	(v2sf) =	vpush v9, $0xF  }
0x6f: {  	(v2sf) =	vpush v8, $0xF  }
0x70: {  	_ = 	snop  }
0x71: {  	vm1 =	vlt.s32 v7, v1  }
0x72: {  	vm2 =	vlt.s32 v7, v0;
	v7 =	vsel vm1, $0x1, v5  }
0x73: {  	v8 =	vsel vm2, $0x1, v5;
	(xrf0) =	vadd.scan.msk.s32 $0xffff, v7  }
0x74: {  	(xrf0) =	vadd.scan.msk.s32 $0xffff, v8;
	_ =	sdelay $0x2  }
0x75: {  	v7, _, _ =	vpop (xrf0)  }
0x76: {  	v8, _, _ =	vpop (xrf0);
	(v2sf) =	vpush v7, $0xF  }
0x77: {  	(v2sf) =	vpush v8, $0xF;
	v7, _, _ =	vpop (xrf0)  }
0x78: {  	v8, _, _ =	vpop (xrf0);
	(v2sf) =	vpush v7, $0xF  }
0x79: {  	(v2sf) =	vpush v8, $0xF;
	_ =	sdelay $0x5  }
0x7a: {  	s12 =	spop (v2sf)  }
0x7b: {  	s8 =	spop (v2sf)  }
0x7c: {  	s11 =	spop (v2sf)  }
0x7d: {  	s13 =	spop (v2sf)  }
0x7e: {  	s10 =	spop (v2sf)  }
0x7f: {  	s14 =	spop (v2sf)  }
0x80: {  	s2 =	sadd.s32 s2, s8;
	s9 =	spop (v2sf)  }
0x81: {  	s2 =	sadd.s32 s2, s13;
	s16 =	spop (v2sf)  }
0x82: {  	s2 =	sadd.s32 s2, s14;
	s8 =	spop (v2sf)  }
0x83: {  	s2 =	sadd.s32 s2, s16;
	s17 =	spop (v2sf)  }
0x84: {  	s13 =	sadd.s32 s2, s17  }
0x85: {  	s14 =	smul.u32 $0x4E200, s13;
	_ =	sdelay $0x1  }
0x86: {  	s18 =	sadd.s32 $0xFFFB1E00, s14  }
0x87: {  	s31 =	sshrl.u32 s18, $0x9  }
0x88: {  	s31 =	sand.u32 $0x1, s31  }
0x89: {  	s15 =	sshra.s32 s18, $0x1F;
	p0 =	slt.s32 s18, $0x1;
	p1 =	seq.s32 s31, $0x1  }
0x8a: {  	s15 =	sshrl.u32 s15, $0x16;
	p0 =	por !p0, !p1  }
0x8b: {  	s2 =	sadd.s32 s15, s18;
	s15 =	simm.s32 $0x1;
	p0 =	por !p0, !p0  }
0x8c: {  	s2 =	sshra.s32 s2, $0xA;
	s15 =	simm.s32 @!p0 $0x0  }
0x8d: {  	s2 =	ssub.s32 s2, s15  }
0x8e: {  	p0 =	seq.s32 s13, $0x0;
	s31 =	sadd.s32 $0x1, s2  }
0x8f: {  	s31 =	simm.s32 @p0 $0x0  }
0x90: {  	s15 =	sand.u32 $0x7, s31  }
0x91: {  	p0 =	slt.s32 s31, $0x1;
	p4 =	sne.s32 s15, $0x0  }
0x92: {  	s16 =	sshrl.u32 s31, $0x1D;
	p0 =	por !p0, !p4  }
0x93: {  	s2 =	sadd.s32 s16, s31;
	s15 =	simm.s32 $0x1;
	p0 =	por !p0, !p0  }
0x94: {  	s2 =	sshrl.u32 s2, $0x3;
	s15 =	simm.s32 @!p0 $0x0  }
0x95: {  	s2 =	ssub.s32 s2, s15  }
0x96: {  	s15 =	sshll.u32 s2, $0x3  }
0x97: {  	p0 =	slt.s32 s15, $0x4E0B0  }
0x98: {  	s15 =	simm.s32 @!p0 $0x4E0B0  }
0x99: {  	p5 =	slt.s32 s14, $0x1;
	s17 =	sshrl.u32 s15, $0x3  }
0x9a: {  	s2 =	simm.s32 $0x0;
	s16 =	sadd.s32 s1, s17;
	s17 =	sshrl.u32 s14, $0x9  }
0x9b: {  	[tilespmem:s25], [sflag:$0x2] =	stream.linear.gather [hbm4b:s16+s2], $0x150, $0x38;
	[tilespmem:$0xC600] =	vst v63  }
0x9c: {  	s18 =	sshra.s32 s14, $0x1F;
	s17 =	sand.u32 $0x1, s17;
	_ =	swait.ge [sflag:s26], $0x150  }
0x9d: {  	s16 =	sshrl.u32 s18, $0x16;
	p6 =	seq.s32 s17, $0x1;
	[sflag:s26] =	ssyncset.done $0x0  }
0x9e: {  	s18 =	simm.s32 $0x0;
	p0 =	por !p5, !p6;
	[sflag:s26] =	ssyncadd.s32 $0xFFFFFEB0  }
0x9f: {  	s14 =	sadd.s32 s16, s14;
	s16 =	simm.s32 $0x1;
	p0 =	por !p0, !p0;
	v9 =	vld [tilespmem:s18+$0xC480]  }
0xa0: {  	s14 =	sshra.s32 s14, $0xA;
	s16 =	simm.s32 @!p0 $0x0  }
0xa1: {  	p0 =	sgt.s32 s13, $0x3FF;
	s18 =	simm.s32 $0x10;
	s13 =	ssub.s32 s14, s16  }
0xa2: {  	v10 =	vld [tilespmem:s18+$0xC480];
	s13 =	simm.s32 @p0 $0x4E200  }
0xa3: {  	v11 =	vadd.s32 s15, v3;
	s14 =	simm.s32 $0x20;
	v7 =	vmov s13  }
0xa4: {  	v8 =	vmov s31;
	vm1 =	vlt.s32 v11, v7;
	vm2 =	vlt.s32 v9, v0;
	v9 =	vld [tilespmem:s14+$0xC480]  }
0xa5: {  	vm3 =	vge.s32 v11, v8;
	vm1 =	vmand vm1, vm2  }
0xa6: {  	s16 =	sadd.s32 $0x10, s15;
	vm1 =	vmand vm1, vm3  }
0xa7: {  	s13 =	sadd.s32 $0x10, s16;
	v11 =	vsel vm1, $0x1, v5;
	vm1 =	vlt.s32 v10, v0;
	v10 =	vadd.s32 s16, v3  }
0xa8: {  	vm2 =	vlt.s32 v10, v7;
	vm3 =	vge.s32 v10, v8;
	v10 =	vadd.s32 s13, v3  }
0xa9: {  	vm1 =	vmand vm2, vm1;
	vm2 =	vlt.s32 v10, v7;
	vm4 =	vlt.s32 v9, v0  }
0xaa: {  	s17 =	simm.s32 $0x30;
	(xrf0) =	vadd.scan.msk.s32 $0xffff, v11;
	vm1 =	vmand vm1, vm3;
	vm2 =	vmand vm2, vm4;
	vm3 =	vge.s32 v10, v8  }
0xab: {  	v9 =	vld [tilespmem:s17+$0xC480];
	v10 =	vsel vm1, $0x1, v5;
	vm1 =	vmand vm2, vm3  }
0xac: {  	(xrf0) =	vadd.scan.msk.s32 $0xffff, v10;
	v10 =	vsel vm1, $0x1, v5  }
0xad: {  	(xrf0) =	vadd.scan.msk.s32 $0xffff, v10;
	_ =	sdelay $0x2  }
0xae: {  	vm2 =	vlt.s32 v9, v0;
	v9, _, _ =	vpop (xrf0)  }
0xaf: {  	(v2sf) =	vpush v9, $0xF  }
0xb0: {  	v9, _, _ =	vpop (xrf0)  }
0xb1: {  	(v2sf) =	vpush v9, $0xF;
	v11, _, _ =	vpop (xrf0)  }
0xb2: {  	(v2sf) =	vpush v11, $0xF;
	_ =	sdelay $0x1  }
0xb3: {  	s13 =	sadd.s32 $0x10, s13  }
0xb4: {  	v10 =	vadd.s32 s13, v3  }
0xb5: {  	s18 =	simm.s32 $0x40;
	vm1 =	vlt.s32 v10, v7  }
0xb6: {  	s0 =	sadd.s32 s0, s12;
	vm3 =	vge.s32 v10, v8;
	vm1 =	vmand vm1, vm2;
	v9 =	vld [tilespmem:s18+$0xC480]  }
0xb7: {  	s0 =	sadd.s32 s0, s11;
	vm1 =	vmand vm1, vm3  }
0xb8: {  	s0 =	sadd.s32 s0, s10;
	v10 =	vsel vm1, $0x1, v5  }
0xb9: {  	s9 =	sadd.s32 s0, s9;
	s0 =	sadd.s32 $0x10, s13;
	(xrf0) =	vadd.scan.msk.s32 $0xffff, v10  }
0xba: {  	s9 =	sadd.s32 s9, s8;
	s8 =	simm.s32 $0x140;
	v10 =	vadd.s32 s0, v3  }
.LBB2_8:
0xbb: {  	s10 =	sshra.s32 s8, $0x2;
	p0 =	sne.s32 s8, $0x500;
	s8 =	sadd.s32 $0x40, s8;
	vm1 =	vlt.s32 v10, v7;
	vm2 =	vlt.s32 v9, v0  }
.Ltmp5:
0xbc: {  	vm3 =	vge.s32 v10, v8;
	v9 =	vld [tilespmem:s10+$0xC480];
	vm1 =	vmand vm1, vm2;
	(pc) =	sbr.rel @p0 .LBB2_8-.Ltmp5, $4  }
0xbd: {  	vm1 =	vmand vm1, vm3;
	s10 =	spop (v2sf)  }
0xbe: {  	v10 =	vsel vm1, $0x1, v5;
	s2 =	sadd.s32 s2, s10  }
0xbf: {  	s0 =	sadd.s32 $0x10, s0;
	(xrf0) =	vadd.scan.msk.s32 $0xffff, v10;
	v11, _, _ =	vpop (xrf0)  }
0xc0: {  	v10 =	vadd.s32 s0, v3;
	(v2sf) =	vpush v11, $0xF  }
0xc1: {  	vm1 =	vlt.s32 v10, v7;
	vm2 =	vlt.s32 v9, v0  }
0xc2: {  	vm3 =	vge.s32 v10, v8;
	vm1 =	vmand vm1, vm2  }
0xc3: {  	s15 =	smul.u32 $0x4E200, s9;
	vm1 =	vmand vm1, vm3  }
0xc4: {  	v7 =	vsel vm1, $0x1, v5  }
0xc5: {  	s0 =	sadd.s32 $0xFFFB1E00, s15;
	(xrf0) =	vadd.scan.msk.s32 $0xffff, v7  }
0xc6: {  	s8 =	sshrl.u32 s0, $0x9  }
0xc7: {  	s8 =	sand.u32 $0x1, s8  }
0xc8: {  	s10 =	sshra.s32 s0, $0x1F;
	p0 =	slt.s32 s0, $0x1;
	p1 =	seq.s32 s8, $0x1  }
0xc9: {  	s16 =	sshrl.u32 s10, $0x16;
	v7, _, _ =	vpop (xrf0);
	p0 =	por !p0, !p1  }
0xca: {  	s0 =	sadd.s32 s16, s0;
	s8 =	simm.s32 $0x1;
	(v2sf) =	vpush v7, $0xF;
	p0 =	por !p0, !p0  }
0xcb: {  	s0 =	sshra.s32 s0, $0xA;
	s8 =	simm.s32 @!p0 $0x0;
	v7, _, _ =	vpop (xrf0)  }
0xcc: {  	s0 =	ssub.s32 s0, s8;
	(v2sf) =	vpush v7, $0xF  }
0xcd: {  	p0 =	seq.s32 s9, $0x0;
	s0 =	sadd.s32 $0x1, s0  }
0xce: {  	s0 =	simm.s32 @p0 $0x0  }
0xcf: {  	s17 =	sand.u32 $0x7, s0  }
0xd0: {  	p0 =	slt.s32 s0, $0x1;
	p4 =	sne.s32 s17, $0x0  }
0xd1: {  	s18 =	sshrl.u32 s0, $0x1D;
	p0 =	por !p0, !p4  }
0xd2: {  	s10 =	simm.s32 $0x1;
	s8 =	sadd.s32 s18, s0;
	p0 =	por !p0, !p0  }
0xd3: {  	s8 =	sshrl.u32 s8, $0x3;
	s10 =	simm.s32 @!p0 $0x0  }
0xd4: {  	s8 =	ssub.s32 s8, s10  }
0xd5: {  	s16 =	sshll.u32 s8, $0x3  }
0xd6: {  	s14 =	spop (v2sf);
	p0 =	slt.s32 s16, $0x4E0B0  }
0xd7: {  	s13 =	spop (v2sf);
	s16 =	simm.s32 @!p0 $0x4E0B0  }
0xd8: {  	s18 =	sshrl.u32 s15, $0x9;
	s12 =	spop (v2sf);
	s10 =	sshrl.u32 s16, $0x3  }
0xd9: {  	s8 =	simm.s32 $0x0;
	s11 =	spop (v2sf);
	s17 =	sadd.s32 s1, s10  }
0xda: {  	[tilespmem:s25], [sflag:$0x2] =	stream.linear.gather [hbm4b:s17+s8], $0x150, $0x38;
	[tilespmem:$0xC600] =	vst v63  }
0xdb: {  	s18 =	sand.u32 $0x1, s18;
	s10 =	spop (v2sf)  }
0xdc: {  	p5 =	slt.s32 s15, $0x1;
	p6 =	seq.s32 s18, $0x1;
	_ =	swait.ge [sflag:s26], $0x150  }
0xdd: {  	s18 =	simm.s32 $0x0;
	s17 =	sshra.s32 s15, $0x1F;
	[sflag:s26] =	ssyncset.done $0x0  }
0xde: {  	p0 =	por !p5, !p6;
	s17 =	sshrl.u32 s17, $0x16;
	[sflag:s26] =	ssyncadd.s32 $0xFFFFFEB0  }
0xdf: {  	p0 =	por !p0, !p0;
	s15 =	sadd.s32 s17, s15;
	s17 =	simm.s32 $0x1;
	v9 =	vld [tilespmem:s18+$0xC480]  }
0xe0: {  	s15 =	sshra.s32 s15, $0xA;
	s17 =	simm.s32 @!p0 $0x0  }
0xe1: {  	p0 =	sgt.s32 s9, $0x3FF;
	s9 =	ssub.s32 s15, s17;
	s18 =	simm.s32 $0x10  }
0xe2: {  	s9 =	simm.s32 @p0 $0x4E200;
	v10 =	vld [tilespmem:s18+$0xC480]  }
0xe3: {  	v11 =	vadd.s32 s16, v3;
	s15 =	simm.s32 $0x20;
	v7 =	vmov s9  }
0xe4: {  	v8 =	vmov s0;
	vm1 =	vlt.s32 v11, v7;
	vm2 =	vlt.s32 v9, v1;
	v9 =	vld [tilespmem:s15+$0xC480]  }
0xe5: {  	vm3 =	vge.s32 v11, v8;
	vm1 =	vmand vm1, vm2  }
0xe6: {  	s16 =	sadd.s32 $0x10, s16;
	vm1 =	vmand vm1, vm3  }
0xe7: {  	s9 =	sadd.s32 $0x10, s16;
	v11 =	vsel vm1, $0x1, v5;
	vm1 =	vlt.s32 v10, v1;
	v10 =	vadd.s32 s16, v3  }
0xe8: {  	vm2 =	vlt.s32 v10, v7;
	vm3 =	vge.s32 v10, v8;
	v10 =	vadd.s32 s9, v3  }
0xe9: {  	vm1 =	vmand vm2, vm1;
	vm2 =	vlt.s32 v10, v7;
	vm4 =	vlt.s32 v9, v1  }
0xea: {  	s17 =	simm.s32 $0x30;
	(xrf0) =	vadd.scan.msk.s32 $0xffff, v11;
	vm1 =	vmand vm1, vm3;
	vm2 =	vmand vm2, vm4;
	vm3 =	vge.s32 v10, v8  }
0xeb: {  	v9 =	vld [tilespmem:s17+$0xC480];
	v10 =	vsel vm1, $0x1, v5;
	vm1 =	vmand vm2, vm3  }
0xec: {  	(xrf0) =	vadd.scan.msk.s32 $0xffff, v10;
	v10 =	vsel vm1, $0x1, v5  }
0xed: {  	(xrf0) =	vadd.scan.msk.s32 $0xffff, v10;
	_ =	sdelay $0x2  }
0xee: {  	vm2 =	vlt.s32 v9, v1;
	v9, _, _ =	vpop (xrf0)  }
0xef: {  	(v2sf) =	vpush v9, $0xF  }
0xf0: {  	v9, _, _ =	vpop (xrf0)  }
0xf1: {  	(v2sf) =	vpush v9, $0xF;
	v11, _, _ =	vpop (xrf0)  }
0xf2: {  	(v2sf) =	vpush v11, $0xF;
	_ =	sdelay $0x1  }
0xf3: {  	s9 =	sadd.s32 $0x10, s9  }
0xf4: {  	v10 =	vadd.s32 s9, v3  }
0xf5: {  	s18 =	simm.s32 $0x40;
	vm1 =	vlt.s32 v10, v7  }
0xf6: {  	s2 =	sadd.s32 s2, s14;
	vm3 =	vge.s32 v10, v8;
	vm1 =	vmand vm1, vm2;
	v9 =	vld [tilespmem:s18+$0xC480]  }
0xf7: {  	s2 =	sadd.s32 s2, s13;
	vm1 =	vmand vm1, vm3  }
0xf8: {  	s2 =	sadd.s32 s2, s12;
	v10 =	vsel vm1, $0x1, v5  }
0xf9: {  	s2 =	sadd.s32 s2, s11;
	s9 =	sadd.s32 $0x10, s9;
	(xrf0) =	vadd.scan.msk.s32 $0xffff, v10  }
0xfa: {  	s2 =	sadd.s32 s2, s10;
	s10 =	simm.s32 $0x140;
	v10 =	vadd.s32 s9, v3  }
.LBB2_10:
0xfb: {  	s11 =	sshra.s32 s10, $0x2;
	p0 =	sne.s32 s10, $0x500;
	s10 =	sadd.s32 $0x40, s10;
	vm1 =	vlt.s32 v10, v7;
	vm2 =	vlt.s32 v9, v1  }
.Ltmp6:
0xfc: {  	vm3 =	vge.s32 v10, v8;
	v9 =	vld [tilespmem:s11+$0xC480];
	vm1 =	vmand vm1, vm2;
	(pc) =	sbr.rel @p0 .LBB2_10-.Ltmp6, $4  }
0xfd: {  	vm1 =	vmand vm1, vm3;
	s11 =	spop (v2sf)  }
0xfe: {  	v10 =	vsel vm1, $0x1, v5;
	s8 =	sadd.s32 s8, s11  }
0xff: {  	s9 =	sadd.s32 $0x10, s9;
	(xrf0) =	vadd.scan.msk.s32 $0xffff, v10;
	v11, _, _ =	vpop (xrf0)  }
0x100: {  	v10 =	vadd.s32 s9, v3;
	(v2sf) =	vpush v11, $0xF  }
0x101: {  	vm1 =	vlt.s32 v10, v7;
	vm2 =	vlt.s32 v9, v1  }
0x102: {  	vm3 =	vge.s32 v10, v8;
	vm1 =	vmand vm1, vm2  }
0x103: {  	vm1 =	vmand vm1, vm3  }
0x104: {  	v7 =	vsel vm1, $0x1, v5  }
0x105: {  	(xrf0) =	vadd.scan.msk.s32 $0xffff, v7;
	_ =	sdelay $0x4  }
0x106: {  	v7, _, _ =	vpop (xrf0)  }
0x107: {  	(v2sf) =	vpush v7, $0xF;
	v7, _, _ =	vpop (xrf0)  }
0x108: {  	(v2sf) =	vpush v7, $0xF;
	_ =	sdelay $0x7  }
0x109: {  	s9 =	spop (v2sf)  }
0x10a: {  	s2 =	sadd.s32 s31, s2;
	s10 =	spop (v2sf)  }
0x10b: {  	s8 =	sadd.s32 s8, s9;
	s15 =	sand.u32 $0x7, s2;
	s11 =	sshra.s32 s2, $0x1F  }
0x10c: {  	p0 =	slt.s32 s2, $0x1;
	s8 =	sadd.s32 s8, s10;
	p1 =	sne.s32 s15, $0x0  }
0x10d: {  	s16 =	sshrl.u32 s11, $0x1D;
	s10 =	simm.s32 $0x1;
	p0 =	por !p0, !p1  }
0x10e: {  	s9 =	sadd.s32 s16, s2;
	p0 =	por !p0, !p0;
	s13 =	spop (v2sf)  }
0x10f: {  	s9 =	sshrl.u32 s9, $0x3;
	s8 =	sadd.s32 s8, s13;
	s14 =	spop (v2sf)  }
0x110: {  	s10 =	simm.s32 @!p0 $0x0;
	s8 =	sadd.s32 s8, s14;
	s17 =	spop (v2sf)  }
0x111: {  	s10 =	ssub.s32 s9, s10;
	s8 =	sadd.s32 s8, s17  }
0x112: {  	s9 =	sadd.s32 s0, s8;
	s0 =	sshll.u32 s10, $0x3  }
0x113: {  	s8 =	ssub.s32 s9, s0  }
0x114: {  	s8 =	sadd.s32 $0xFFF, s8  }
0x115: {  	s18 =	sand.u32 $0xFFF, s8  }
0x116: {  	s31 =	sshra.s32 s8, $0x1F;
	p6 =	slt.s32 s8, $0x1;
	p5 =	sne.s32 s18, $0x0  }
0x117: {  	s10 =	sshrl.u32 s31, $0x14;
	p0 =	por !p6, !p5  }
0x118: {  	s8 =	sadd.s32 s10, s8;
	s10 =	simm.s32 $0x1;
	p0 =	por !p0, !p0  }
0x119: {  	s8 =	sshra.s32 s8, $0xC;
	s10 =	simm.s32 @!p0 $0x0  }
0x11a: {  	s8 =	ssub.s32 s8, s10  }
0x11b: {  	p0 =	slt.s32 s8, $0x1  }
.Ltmp7:
0x11c: {  	_ = 	snop;
	(pc) =	sbr.rel @p0 .LBB2_16-.Ltmp7, $1  }
0x11d: {  	_ =	sdelay $0x3  }
0x11e: {  	v7 =	vmov s9;
	s9 =	simm.s32 $0x0;
	s10 =	smov.u32 s0;
	s11 =	simm.s32 $0x0  }
.LBB2_13:
0x11f: {  	s12 =	sshll.u32 s11, $0xC  }
0x120: {  	s12 =	sadd.s32 s0, s12  }
0x121: {  	p0 =	slt.s32 s12, $0x4D200  }
0x122: {  	s12 =	simm.s32 @!p0 $0x4D200  }
0x123: {  	s13 =	sshrl.u32 s12, $0x3  }
0x124: {  	s14 =	sadd.s32 s1, s13  }
0x125: {  	[tilespmem:s28], [sflag:$0x2] =	stream.linear.gather [hbm4b:s14+s9], $0x1000, $0x38;
	[tilespmem:$0xC600] =	vst v63  }
0x126: {  	_ =	swait.ge [sflag:s26], $0x1000  }
0x127: {  	[sflag:s26] =	ssyncset.done $0x0  }
0x128: {  	s13 =	sadd.s32 s3, s13;
	[sflag:s26] =	ssyncadd.s32 $0xFFFFF000  }
0x129: {  	[tilespmem:s29], [sflag:$0x2] =	stream.linear.gather [hbm4b:s13+s9], $0x1000, $0x38;
	[tilespmem:$0xC600] =	vst v63  }
0x12a: {  	_ =	swait.ge [sflag:s26], $0x1000  }
0x12b: {  	[sflag:s26] =	ssyncset.done $0x0  }
0x12c: {  	s18 =	simm.s32 $0x0;
	[sflag:s26] =	ssyncadd.s32 $0xFFFFF000  }
0x12d: {  	v9 =	vld [tilespmem:s18+$0x9C80];
	_ =	sdelay $0x1  }
0x12e: {  	p0 =	slt.s32 s10, $0x4D200;
	s13 =	smov.u32 s10;
	v10 =	vld [tilespmem:s18+$0xAC80]  }
0x12f: {  	s13 =	simm.s32 @!p0 $0x4D200  }
0x130: {  	v8 =	vmov s2;
	v11 =	vadd.s32 s13, v3  }
0x131: {  	vm1 =	vge.s32 v11, v8;
	vm2 =	vlt.s32 v11, v7;
	v9 =	vsub.s32 v9, v0  }
0x132: {  	vm1 =	vmand vm1, vm2;
	v9 =	vshll.u32 v9, $0x7  }
0x133: {  	v9 =	vadd.s32 v10, v9;
	_ =	sdelay $0x4  }
0x134: {  	s31 =	simm.s32 $0x10;
	s14 =	simm.s32 $0x80;
	[tilespmem:v9+s4+$0x0] =	vst.idx.add.f32.msk vm1, v6  }
.LBB2_14:
0x135: {  	p0 =	sne.s32 s14, $0x3FC0;
	v9 =	vld [tilespmem:s31+$0x9C80];
	_ =	sdelay $0x1  }
0x136: {  	v10 =	vld [tilespmem:s31+$0xAC80]  }
0x137: {  	s13 =	sadd.s32 $0x10, s13  }
0x138: {  	v11 =	vadd.s32 s13, v3  }
0x139: {  	vm1 =	vge.s32 v11, v8;
	vm2 =	vlt.s32 v11, v7;
	v9 =	vsub.s32 v9, v0  }
0x13a: {  	vm1 =	vmand vm1, vm2;
	v9 =	vshll.u32 v9, $0x7  }
0x13b: {  	v9 =	vadd.s32 v10, v9  }
.Ltmp8:
0x13c: {  	(pc) =	sbr.rel @p0 .LBB2_14-.Ltmp8, $2  }
0x13d: {  	_ =	sdelay $0x2  }
0x13e: {  	s31 =	sshra.s32 s14, $0x2;
	s14 =	sadd.s32 $0x40, s14;
	[tilespmem:v9+s4+$0x0] =	vst.idx.add.f32.msk vm1, v6  }
0x13f: {  	v9 =	vld [tilespmem:s31+$0x9C80];
	_ =	sdelay $0x1  }
0x140: {  	v10 =	vld [tilespmem:s31+$0xAC80]  }
0x141: {  	s13 =	sadd.s32 $0x10, s13  }
0x142: {  	v11 =	vadd.s32 s13, v3  }
0x143: {  	s12 =	sadd.s32 $0x1000, s12;
	vm1 =	vge.s32 v11, v8;
	vm2 =	vlt.s32 v11, v7;
	v8 =	vsub.s32 v9, v0  }
0x144: {  	s11 =	sadd.s32 $0x1, s11;
	p0 =	sgt.s32 s2, s12;
	vm1 =	vmand vm1, vm2;
	v8 =	vshll.u32 v8, $0x7  }
0x145: {  	s12 =	smov.u32 @p0 s2;
	p0 =	sne.s32 s11, s8;
	v8 =	vadd.s32 v10, v8  }
.Ltmp9:
0x146: {  	_ = 	snop;
	(pc) =	sbr.rel @p0 .LBB2_13-.Ltmp9, $4  }
.Ltmp10:
0x147: {  	_ = 	snop;
	(pc) =	sbr.rel @!p0 .LBB2_16-.Ltmp10, $4  }
0x148: {  	_ = 	snop  }
0x149: {  	_ = 	snop  }
0x14a: {  	s10 =	sadd.s32 $0x1000, s10;
	s2 =	smov.u32 s12;
	[tilespmem:v8+s4+$0x0] =	vst.idx.add.f32.msk vm1, v6  }
0x14b: {  	_ = 	snop  }
.LBB2_17:
0x14c: {  	_ =	sfence.sel $0x180000  }
0x14d: {  	[bflag:$0x0] =	sbarrier.arrive $0xFFFF  }
0x14e: {  	_ =	strace $0x90000047  }
0x14f: {  	s0 =	stileid.u32;
	[bflag:$0x2] =	sbarrier.arrive $0xFFFF  }
0x150: {  	p0 =	sne.s32 s0, $0x0;
	s0 =	rddreg [dreg:$0x3]  }
0x151: {  	s0 =	sadd.s32 @!p0 $0x100000, s0  }
0x152: {  	[sflag:s0] =	ssyncadd.tile.s32 @!p0 $0x1;
	_ =	shalt  }
.Lfunc_end2:
_tile_overlayer_lowered:
.L_overlay_start_2:
0x153: {  	(tag) =	ssettag $0x2  }
0x154: {  	s0 =	rddreg [dreg:$0x0];
	s2 =	stileid.u32  }
0x155: {  	s1 =	rddreg [dreg:$0x1];
	p0 =	sne.s32 s2, $0x0  }
0x156: {  	s3 =	rddreg [dreg:$0x2];
	[bflag:$0x3] =	sbarrier.arrive $0xFFFF;
	s2 =	simm.s32 @!p0 $0x1C02  }
0x157: {  	[timem:s3], [sflag:s2] =	dma.local @!p0 [hbm:s0], s1  }
0x158: {  	s0 =	simm.s32 @!p0 $0x2  }
0x159: {  	_ =	swait.ge @!p0 [sflag:s0], s1  }
0x15a: {  	s1 =	ssub.s32 @!p0 $0x0, s1;
	[sflag:s0] =	ssyncset.done @!p0 $0x0  }
0x15b: {  	[sflag:s0] =	ssyncadd.s32 @!p0 s1  }
0x15c: {  	[bflag:$0x3] =	sbarrier.arrive $0xFFFF  }
0x15d: {  	_ =	shalt  }

</sc_bundles>
